<compile_context>
chip_gen: v7x
topology: tpu7x:2x2x1
jax: 0.10.2.dev20260603
libtpu: 0.0.44.dev20260713+nightly
codegen_flags: <defaults>
</compile_context>

<pallas_src>
import functools

import jax
import jax.numpy as jnp
from jax import lax
from jax.experimental import pallas as pl
from jax.experimental.pallas import tpu as pltpu
from jax.experimental.pallas import tpu_sc as plsc

NC = 2
NS = 16
K = 128
BLK = 512


def _sc_degree(dst_pad, n_acc, e_pad):
    nw = NC * NS
    ew = e_pad // nw
    nb = ew // K
    rows_pt = n_acc // NS
    mesh = plsc.VectorSubcoreMesh(core_axis_name="c", subcore_axis_name="s")

    @functools.partial(
        pl.kernel,
        out_type=jax.ShapeDtypeStruct((NC, n_acc, 128), jnp.float32),
        mesh=mesh,
        scratch_types=[
            pltpu.VMEM((K,), jnp.int32),
            pltpu.VMEM((K, 128), jnp.float32),
            pltpu.VMEM((K, 128), jnp.float32),
            pltpu.VMEM_SHARED((n_acc, 128), jnp.float32),
        ],
    )
    def kern(dst_hbm, out_hbm, didx, ones_v, zer_v, acc):
        c = lax.axis_index("c")
        s = lax.axis_index("s")
        wid = c * NS + s

        def fill(i, carry):
            for kk in range(8):
                ones_v[i, pl.ds(kk * 16, 16)] = jnp.full((16,), 1.0, jnp.float32)
                zer_v[i, pl.ds(kk * 16, 16)] = jnp.zeros((16,), jnp.float32)
            return carry

        lax.fori_loop(0, K, fill, 0)

        t0 = s * rows_pt

        def zacc(j, carry):
            pltpu.sync_copy(zer_v, acc.at[pl.ds(t0 + j * K, K)])
            return carry

        lax.fori_loop(0, rows_pt // K, zacc, 0)
        plsc.subcore_barrier()

        wbase = wid * ew

        def body(i, carry):
            pltpu.sync_copy(dst_hbm.at[pl.ds(wbase + i * K, K)], didx)
            pltpu.sync_copy(ones_v, acc.at[didx], add=True)
            return carry

        lax.fori_loop(0, nb, body, 0)
        plsc.subcore_barrier()
        pltpu.sync_copy(acc.at[pl.ds(t0, rows_pt)],
                        out_hbm.at[c, pl.ds(t0, rows_pt)])

    return kern(dst_pad)


def _sc_aggregate(xs_pad, src_pad, dst_pad, n_acc, e_pad):
    nw = NC * NS
    ew = e_pad // nw
    nb = ew // K
    rows_pt = n_acc // NS
    mesh = plsc.VectorSubcoreMesh(core_axis_name="c", subcore_axis_name="s")

    @functools.partial(
        pl.kernel,
        out_type=jax.ShapeDtypeStruct((NC, n_acc, 128), jnp.float32),
        mesh=mesh,
        scratch_types=[
            pltpu.VMEM((K,), jnp.int32),
            pltpu.VMEM((K,), jnp.int32),
            pltpu.VMEM((K, 128), jnp.float32),
            pltpu.VMEM_SHARED((n_acc, 128), jnp.float32),
            pltpu.SemaphoreType.DMA,
        ],
    )
    def kern(xs_hbm, src_hbm, dst_hbm, out_hbm, sidx, didx, rows, acc, gsem):
        c = lax.axis_index("c")
        s = lax.axis_index("s")
        wid = c * NS + s

        def zrow(i, carry):
            for kk in range(8):
                rows[i, pl.ds(kk * 16, 16)] = jnp.zeros((16,), jnp.float32)
            return carry

        lax.fori_loop(0, K, zrow, 0)

        t0 = s * rows_pt

        def zacc(j, carry):
            pltpu.sync_copy(rows, acc.at[pl.ds(t0 + j * K, K)])
            return carry

        lax.fori_loop(0, rows_pt // K, zacc, 0)
        plsc.subcore_barrier()

        wbase = wid * ew

        def body(i, carry):
            base = wbase + i * K
            pltpu.sync_copy(src_hbm.at[pl.ds(base, K)], sidx)
            pltpu.async_copy(xs_hbm.at[sidx], rows, gsem).wait()
            pltpu.sync_copy(dst_hbm.at[pl.ds(base, K)], didx)
            pltpu.sync_copy(rows, acc.at[didx], add=True)
            return carry

        lax.fori_loop(0, nb, body, 0)
        plsc.subcore_barrier()
        pltpu.sync_copy(acc.at[pl.ds(t0, rows_pt)],
                        out_hbm.at[c, pl.ds(t0, rows_pt)])

    return kern(xs_pad, src_pad, dst_pad)


def _dinv_block(dref):
    deg = dref[0, :, 0:1] + dref[1, :, 0:1] + 1.0
    return lax.rsqrt(deg)


def _tc_prescale(degp, x_pad, n_acc):

    def body(dref, xref, oref):
        oref[...] = xref[...] * _dinv_block(dref)

    return pl.pallas_call(
        body,
        grid=(n_acc // BLK,),
        in_specs=[
            pl.BlockSpec((2, BLK, 128), lambda i: (0, i, 0)),
            pl.BlockSpec((BLK, 128), lambda i: (i, 0)),
        ],
        out_specs=pl.BlockSpec((BLK, 128), lambda i: (i, 0)),
        out_shape=jax.ShapeDtypeStruct((n_acc, 128), jnp.float32),
    )(degp, x_pad)


def _tc_mid(aggp, degp, xs, W1, b1, W2, n_acc, hid):

    def body(aref, dref, xref, w1, b1r, w2, oref):
        dinv = _dinv_block(dref)
        agg = (aref[0] + aref[1] + xref[...]) * dinv
        h = jnp.dot(agg, w1[...], preferred_element_type=jnp.float32)
        h = jnp.maximum(h + b1r[...], 0.0)
        z = jnp.dot(h, w2[...], preferred_element_type=jnp.float32)
        oref[...] = z * dinv

    return pl.pallas_call(
        body,
        grid=(n_acc // BLK,),
        in_specs=[
            pl.BlockSpec((2, BLK, 128), lambda i: (0, i, 0)),
            pl.BlockSpec((2, BLK, 128), lambda i: (0, i, 0)),
            pl.BlockSpec((BLK, 128), lambda i: (i, 0)),
            pl.BlockSpec((128, hid), lambda i: (0, 0)),
            pl.BlockSpec((1, hid), lambda i: (0, 0)),
            pl.BlockSpec((hid, 128), lambda i: (0, 0)),
        ],
        out_specs=pl.BlockSpec((BLK, 128), lambda i: (i, 0)),
        out_shape=jax.ShapeDtypeStruct((n_acc, 128), jnp.float32),
    )(aggp, degp, xs, W1, b1, W2)


def _tc_final(aggp, degp, zs, b2, n_acc):

    def body(aref, dref, zref, b2r, oref):
        dinv = _dinv_block(dref)
        v = (aref[0] + aref[1] + zref[...]) * dinv + b2r[...]
        oref[...] = jnp.maximum(v, 0.0)

    return pl.pallas_call(
        body,
        grid=(n_acc // BLK,),
        in_specs=[
            pl.BlockSpec((2, BLK, 128), lambda i: (0, i, 0)),
            pl.BlockSpec((2, BLK, 128), lambda i: (0, i, 0)),
            pl.BlockSpec((BLK, 128), lambda i: (i, 0)),
            pl.BlockSpec((1, 128), lambda i: (0, 0)),
        ],
        out_specs=pl.BlockSpec((BLK, 128), lambda i: (i, 0)),
        out_shape=jax.ShapeDtypeStruct((n_acc, 128), jnp.float32),
    )(aggp, degp, zs, b2)


def kernel(x, edge_index, W1, b1, W2, b2):
    n, _ = x.shape
    e = edge_index.shape[1]
    hid = W1.shape[1]

    nw = NC * NS
    chunk = nw * K
    e_pad = ((e + chunk - 1) // chunk) * chunk
    stride = NS * K
    n_acc = ((n + 1 + stride - 1) // stride) * stride

    src = edge_index[0].astype(jnp.int32)
    dst = edge_index[1].astype(jnp.int32)
    pad = e_pad - e
    src_p = jnp.concatenate([src, jnp.zeros((pad,), jnp.int32)])
    dst_p = jnp.concatenate([dst, jnp.full((pad,), n, jnp.int32)])
    x_p = jnp.pad(x, ((0, n_acc - n), (0, 0)))
    b1r = b1.reshape(1, hid)
    b2r = b2.reshape(1, -1)

    degp = _sc_degree(dst_p, n_acc, e_pad)
    xs = _tc_prescale(degp, x_p, n_acc)
    aggp1 = _sc_aggregate(xs, src_p, dst_p, n_acc, e_pad)
    zs = _tc_mid(aggp1, degp, xs, W1, b1r, W2, n_acc, hid)
    aggp2 = _sc_aggregate(zs, src_p, dst_p, n_acc, e_pad)
    out = _tc_final(aggp2, degp, zs, b2r, n_acc)
    return out[:n]

# --- scband reference (transcript-rebuilt; emitter-appended) ---
"""Pipeline reference for scband-agcn-75488345194658 (READ-ONLY COPY).

The authoritative reference and input builder live on the scoring server;
editing this copy changes nothing except your own understanding.
"""

import jax, jax.numpy as jnp
import numpy as np

N_NODES = 10000
N_EDGES = 320000
IN_CH = 128
HID = 512
OUT_CH = 128


def _gcn_conv(x, src, dst, W, b):
    N = x.shape[0]
    # add self loops (PyG GCNConv default)
    loop = jnp.arange(N, dtype=src.dtype)
    src_sl = jnp.concatenate([src, loop])
    dst_sl = jnp.concatenate([dst, loop])
    # symmetric normalization deg^{-1/2} (degree counted at dst, incl. self loops)
    deg = jnp.zeros((N,), dtype=x.dtype).at[dst_sl].add(1.0)
    dinv = jnp.where(deg > 0, deg ** -0.5, 0.0)
    norm = dinv[src_sl] * dinv[dst_sl]
    h = x @ W
    msg = h[src_sl] * norm[:, None]
    out = jnp.zeros((N, W.shape[1]), dtype=x.dtype).at[dst_sl].add(msg)
    return out + b


def setup_inputs(seed: int = 0) -> dict:
    key = jax.random.key(seed)
    k_x, k_e, k_w1, k_w2 = jax.random.split(key, 4)
    x = jax.random.normal(k_x, (N_NODES, IN_CH), dtype=jnp.float32)
    edge_index = jax.random.randint(k_e, (2, N_EDGES), 0, N_NODES, dtype=jnp.int64)
    s1 = 1.0 / np.sqrt(IN_CH)
    s2 = 1.0 / np.sqrt(HID)
    W1 = jax.random.uniform(k_w1, (IN_CH, HID), dtype=jnp.float32, minval=-s1, maxval=s1)
    b1 = jnp.zeros((HID,), dtype=jnp.float32)
    W2 = jax.random.uniform(k_w2, (HID, OUT_CH), dtype=jnp.float32, minval=-s2, maxval=s2)
    b2 = jnp.zeros((OUT_CH,), dtype=jnp.float32)
    return {"x": x, "edge_index": edge_index, "W1": W1, "b1": b1, "W2": W2, "b2": b2}


def reference(x, edge_index, W1, b1, W2, b2):
    src = edge_index[0]
    dst = edge_index[1]
    h = jax.nn.relu(_gcn_conv(x, src, dst, W1, b1))
    # dropout is identity at inference
    h = jax.nn.relu(_gcn_conv(h, src, dst, W2, b2))
    return h

if __name__ == "__main__":
    import jax
    _d = setup_inputs()
    print(jax.jit(kernel)(*tuple(_d.values())))

</pallas_src>

<mosaic_0001>
#map = affine_map<(d0, d1) -> (0, 0)>
#map1 = affine_map<(d0, d1) -> (0)>
#map2 = affine_map<(d0, d1) -> (0, 0, 0)>
module attributes {stable_mosaic.version = 14 : i64} {
  func.func @kern(%arg0: i32, %arg1: i32, %arg2: memref<10240x128xf32, #tpu.memory_space<hbm>>, %arg3: memref<323584xi32, #tpu.memory_space<hbm>>, %arg4: memref<323584xi32, #tpu.memory_space<hbm>>, %arg5: memref<2x10240x128xf32, #tpu.memory_space<hbm>>, %arg6: memref<128xi32, #tpu.memory_space<vmem>>, %arg7: memref<128xi32, #tpu.memory_space<vmem>>, %arg8: memref<128x128xf32, #tpu.memory_space<vmem>>, %arg9: memref<10240x128xf32, #tpu.memory_space<vmem_shared>>, %arg10: memref<!tpu.dma_semaphore, #tpu.memory_space<semaphore_mem>>) attributes {dimension_semantics = [#tpu.dimension_semantics<core_parallel>, #tpu.dimension_semantics<subcore_parallel>], iteration_bounds = array<i64: 2, 16>, scalar_prefetch = 0 : i64, scratch_operands = 5 : i64, tpu.core_type = #tpu.core_type<sc_vector_subcore>, window_params = [{transform_indices = #map}, {transform_indices = #map1}, {transform_indices = #map1}, {transform_indices = #map2}]} {
    %mul3A = arith.constant 16 : i32
    %mul3A_0 = arith.muli %arg0, %mul3A : i32
    %add3A = arith.addi %mul3A_0, %arg1 : i32
    %scan3A = arith.constant 0 : i32
    %scan3A_1 = arith.constant 0 : i32
    %scan3A_2 = arith.constant 128 : i32
    %scan3A_3 = arith.addi %scan3A_1, %scan3A_2 : i32
    %scan3A_4 = arith.constant 1 : i32
    scf.for %scan3A_23 = %scan3A_1 to %scan3A_3 step %scan3A_4  : i32 {
      %broadcast_in_dim3A = arith.constant 0.000000e+00 : f32
      %broadcast_in_dim3A_24 = vector.broadcast %broadcast_in_dim3A : f32 to vector<16xf32>
      %swap3A = arith.index_cast %scan3A_23 : i32 to index
      %swap3A_25 = arith.constant 0 : index
      %swap3A_26 = tpu.vector_load %arg8[%swap3A, %swap3A_25] {strides = array<i32>} : memref<128x128xf32, #tpu.memory_space<vmem>>, vector<1x16xf32>,
      %swap3A_27 = vector.shape_cast %swap3A_26 : vector<1x16xf32> to vector<16xf32>
      %swap3A_28 = vector.shape_cast %broadcast_in_dim3A_24 : vector<16xf32> to vector<1x16xf32>
      tpu.vector_store %arg8[%swap3A, %swap3A_25], %swap3A_28 {strides = array<i32>} : memref<128x128xf32, #tpu.memory_space<vmem>>, vector<1x16xf32>,
      %broadcast_in_dim3A_29 = arith.constant 0.000000e+00 : f32
      %broadcast_in_dim3A_30 = vector.broadcast %broadcast_in_dim3A_29 : f32 to vector<16xf32>
      %swap3A_31 = arith.index_cast %scan3A_23 : i32 to index
      %swap3A_32 = arith.constant 16 : index
      %swap3A_33 = tpu.vector_load %arg8[%swap3A_31, %swap3A_32] {strides = array<i32>} : memref<128x128xf32, #tpu.memory_space<vmem>>, vector<1x16xf32>,
      %swap3A_34 = vector.shape_cast %swap3A_33 : vector<1x16xf32> to vector<16xf32>
      %swap3A_35 = vector.shape_cast %broadcast_in_dim3A_30 : vector<16xf32> to vector<1x16xf32>
      tpu.vector_store %arg8[%swap3A_31, %swap3A_32], %swap3A_35 {strides = array<i32>} : memref<128x128xf32, #tpu.memory_space<vmem>>, vector<1x16xf32>,
      %broadcast_in_dim3A_36 = arith.constant 0.000000e+00 : f32
      %broadcast_in_dim3A_37 = vector.broadcast %broadcast_in_dim3A_36 : f32 to vector<16xf32>
      %swap3A_38 = arith.index_cast %scan3A_23 : i32 to index
      %swap3A_39 = arith.constant 32 : index
      %swap3A_40 = tpu.vector_load %arg8[%swap3A_38, %swap3A_39] {strides = array<i32>} : memref<128x128xf32, #tpu.memory_space<vmem>>, vector<1x16xf32>,
      %swap3A_41 = vector.shape_cast %swap3A_40 : vector<1x16xf32> to vector<16xf32>
      %swap3A_42 = vector.shape_cast %broadcast_in_dim3A_37 : vector<16xf32> to vector<1x16xf32>
      tpu.vector_store %arg8[%swap3A_38, %swap3A_39], %swap3A_42 {strides = array<i32>} : memref<128x128xf32, #tpu.memory_space<vmem>>, vector<1x16xf32>,
      %broadcast_in_dim3A_43 = arith.constant 0.000000e+00 : f32
      %broadcast_in_dim3A_44 = vector.broadcast %broadcast_in_dim3A_43 : f32 to vector<16xf32>
      %swap3A_45 = arith.index_cast %scan3A_23 : i32 to index
      %swap3A_46 = arith.constant 48 : index
      %swap3A_47 = tpu.vector_load %arg8[%swap3A_45, %swap3A_46] {strides = array<i32>} : memref<128x128xf32, #tpu.memory_space<vmem>>, vector<1x16xf32>,
      %swap3A_48 = vector.shape_cast %swap3A_47 : vector<1x16xf32> to vector<16xf32>
      %swap3A_49 = vector.shape_cast %broadcast_in_dim3A_44 : vector<16xf32> to vector<1x16xf32>
      tpu.vector_store %arg8[%swap3A_45, %swap3A_46], %swap3A_49 {strides = array<i32>} : memref<128x128xf32, #tpu.memory_space<vmem>>, vector<1x16xf32>,
      %broadcast_in_dim3A_50 = arith.constant 0.000000e+00 : f32
      %broadcast_in_dim3A_51 = vector.broadcast %broadcast_in_dim3A_50 : f32 to vector<16xf32>
      %swap3A_52 = arith.index_cast %scan3A_23 : i32 to index
      %swap3A_53 = arith.constant 64 : index
      %swap3A_54 = tpu.vector_load %arg8[%swap3A_52, %swap3A_53] {strides = array<i32>} : memref<128x128xf32, #tpu.memory_space<vmem>>, vector<1x16xf32>,
      %swap3A_55 = vector.shape_cast %swap3A_54 : vector<1x16xf32> to vector<16xf32>
      %swap3A_56 = vector.shape_cast %broadcast_in_dim3A_51 : vector<16xf32> to vector<1x16xf32>
      tpu.vector_store %arg8[%swap3A_52, %swap3A_53], %swap3A_56 {strides = array<i32>} : memref<128x128xf32, #tpu.memory_space<vmem>>, vector<1x16xf32>,
      %broadcast_in_dim3A_57 = arith.constant 0.000000e+00 : f32
      %broadcast_in_dim3A_58 = vector.broadcast %broadcast_in_dim3A_57 : f32 to vector<16xf32>
      %swap3A_59 = arith.index_cast %scan3A_23 : i32 to index
      %swap3A_60 = arith.constant 80 : index
      %swap3A_61 = tpu.vector_load %arg8[%swap3A_59, %swap3A_60] {strides = array<i32>} : memref<128x128xf32, #tpu.memory_space<vmem>>, vector<1x16xf32>,
      %swap3A_62 = vector.shape_cast %swap3A_61 : vector<1x16xf32> to vector<16xf32>
      %swap3A_63 = vector.shape_cast %broadcast_in_dim3A_58 : vector<16xf32> to vector<1x16xf32>
      tpu.vector_store %arg8[%swap3A_59, %swap3A_60], %swap3A_63 {strides = array<i32>} : memref<128x128xf32, #tpu.memory_space<vmem>>, vector<1x16xf32>,
      %broadcast_in_dim3A_64 = arith.constant 0.000000e+00 : f32
      %broadcast_in_dim3A_65 = vector.broadcast %broadcast_in_dim3A_64 : f32 to vector<16xf32>
      %swap3A_66 = arith.index_cast %scan3A_23 : i32 to index
      %swap3A_67 = arith.constant 96 : index
      %swap3A_68 = tpu.vector_load %arg8[%swap3A_66, %swap3A_67] {strides = array<i32>} : memref<128x128xf32, #tpu.memory_space<vmem>>, vector<1x16xf32>,
      %swap3A_69 = vector.shape_cast %swap3A_68 : vector<1x16xf32> to vector<16xf32>
      %swap3A_70 = vector.shape_cast %broadcast_in_dim3A_65 : vector<16xf32> to vector<1x16xf32>
      tpu.vector_store %arg8[%swap3A_66, %swap3A_67], %swap3A_70 {strides = array<i32>} : memref<128x128xf32, #tpu.memory_space<vmem>>, vector<1x16xf32>,
      %broadcast_in_dim3A_71 = arith.constant 0.000000e+00 : f32
      %broadcast_in_dim3A_72 = vector.broadcast %broadcast_in_dim3A_71 : f32 to vector<16xf32>
      %swap3A_73 = arith.index_cast %scan3A_23 : i32 to index
      %swap3A_74 = arith.constant 112 : index
      %swap3A_75 = tpu.vector_load %arg8[%swap3A_73, %swap3A_74] {strides = array<i32>} : memref<128x128xf32, #tpu.memory_space<vmem>>, vector<1x16xf32>,
      %swap3A_76 = vector.shape_cast %swap3A_75 : vector<1x16xf32> to vector<16xf32>
      %swap3A_77 = vector.shape_cast %broadcast_in_dim3A_72 : vector<16xf32> to vector<1x16xf32>
      tpu.vector_store %arg8[%swap3A_73, %swap3A_74], %swap3A_77 {strides = array<i32>} : memref<128x128xf32, #tpu.memory_space<vmem>>, vector<1x16xf32>,
    }
    %scan3A_5 = arith.constant 128 : i32
    %mul3A_6 = arith.constant 640 : i32
    %mul3A_7 = arith.muli %arg1, %mul3A_6 : i32
    %scan3A_8 = arith.constant 0 : i32
    %scan3A_9 = arith.constant 0 : i32
    %scan3A_10 = arith.constant 5 : i32
    %scan3A_11 = arith.addi %scan3A_9, %scan3A_10 : i32
    %scan3A_12 = arith.constant 1 : i32
    scf.for %scan3A_23 = %scan3A_9 to %scan3A_11 step %scan3A_12  : i32 {
      %mul3A_24 = arith.constant 128 : i32
      %mul3A_25 = arith.muli %scan3A_23, %mul3A_24 : i32
      %add3A_26 = arith.addi %mul3A_7, %mul3A_25 : i32
      "tpu.region"() ({
        %run_scoped3A = tpu.sem_alloc : memref<!tpu.dma_semaphore, #tpu.memory_space<semaphore_mem>>
        %dma_start3A = arith.constant 0 : i32
        %dma_start3A_27 = tpu.memref_slice %arg9[%add3A_26, %dma_start3A] : memref<10240x128xf32, #tpu.memory_space<vmem_shared>> -> memref<128x128xf32, #tpu.memory_space<vmem_shared>>
        %dma_start3A_28 = arith.constant 0 : i32
        %dma_start3A_29 = tpu.memref_slice %arg9[%add3A_26, %dma_start3A_28] : memref<10240x128xf32, #tpu.memory_space<vmem_shared>> -> memref<128x128xf32, #tpu.memory_space<vmem_shared>>
        tpu.enqueue_dma source(%arg8 : memref<128x128xf32, #tpu.memory_space<vmem>>) target(%dma_start3A_29 : memref<128x128xf32, #tpu.memory_space<vmem_shared>>) target_semaphore(%run_scoped3A : memref<!tpu.dma_semaphore, #tpu.memory_space<semaphore_mem>>)
        %dma_wait3A = arith.constant 0 : i32
        %dma_wait3A_30 = tpu.memref_slice %arg9[%add3A_26, %dma_wait3A] : memref<10240x128xf32, #tpu.memory_space<vmem_shared>> -> memref<128x128xf32, #tpu.memory_space<vmem_shared>>
        %dma_wait3A_31 = arith.constant 0 : i32
        %dma_wait3A_32 = tpu.memref_slice %arg9[%add3A_26, %dma_wait3A_31] : memref<10240x128xf32, #tpu.memory_space<vmem_shared>> -> memref<128x128xf32, #tpu.memory_space<vmem_shared>>
        tpu.wait_dma2 semaphore(%run_scoped3A : memref<!tpu.dma_semaphore, #tpu.memory_space<semaphore_mem>>) src(%arg8 : memref<128x128xf32, #tpu.memory_space<vmem>>) dst(%dma_wait3A_32 : memref<128x128xf32, #tpu.memory_space<vmem_shared>>)
        tpu.yield
      }) : () -> ()
    }
    %scan3A_13 = arith.constant 5 : i32
    %barrier3A = arith.constant 0 : index
    tpu.barrier barrier_id(%barrier3A)
    %mul3A_14 = arith.constant 10112 : i32
    %mul3A_15 = arith.muli %add3A, %mul3A_14 : i32
    %scan3A_16 = arith.constant 0 : i32
    %scan3A_17 = arith.constant 0 : i32
    %scan3A_18 = arith.constant 79 : i32
    %scan3A_19 = arith.addi %scan3A_17, %scan3A_18 : i32
    %scan3A_20 = arith.constant 1 : i32
    scf.for %scan3A_23 = %scan3A_17 to %scan3A_19 step %scan3A_20  : i32 {
      %mul3A_24 = arith.constant 128 : i32
      %mul3A_25 = arith.muli %scan3A_23, %mul3A_24 : i32
      %add3A_26 = arith.addi %mul3A_15, %mul3A_25 : i32
      "tpu.region"() ({
        %run_scoped3A = tpu.sem_alloc : memref<!tpu.dma_semaphore, #tpu.memory_space<semaphore_mem>>
        %dma_start3A_31 = tpu.memref_slice %arg3[%add3A_26] : memref<323584xi32, #tpu.memory_space<hbm>> -> memref<128xi32, #tpu.memory_space<hbm>>
        %dma_start3A_32 = tpu.memref_slice %arg3[%add3A_26] : memref<323584xi32, #tpu.memory_space<hbm>> -> memref<128xi32, #tpu.memory_space<hbm>>
        tpu.enqueue_dma source(%dma_start3A_32 : memref<128xi32, #tpu.memory_space<hbm>>) target(%arg6 : memref<128xi32, #tpu.memory_space<vmem>>) target_semaphore(%run_scoped3A : memref<!tpu.dma_semaphore, #tpu.memory_space<semaphore_mem>>)
        %dma_wait3A_33 = tpu.memref_slice %arg3[%add3A_26] : memref<323584xi32, #tpu.memory_space<hbm>> -> memref<128xi32, #tpu.memory_space<hbm>>
        %dma_wait3A_34 = tpu.memref_slice %arg3[%add3A_26] : memref<323584xi32, #tpu.memory_space<hbm>> -> memref<128xi32, #tpu.memory_space<hbm>>
        tpu.wait_dma2 semaphore(%run_scoped3A : memref<!tpu.dma_semaphore, #tpu.memory_space<semaphore_mem>>) src(%dma_wait3A_34 : memref<128xi32, #tpu.memory_space<hbm>>) dst(%arg6 : memref<128xi32, #tpu.memory_space<vmem>>)
        tpu.yield
      }) : () -> ()
      %dma_start3A = arith.constant 0 : i32
      %dma_start3A_27 = arith.constant 0 : i32
      %dma_start3A_28 = tpu.memref_slice %arg2[%dma_start3A, %dma_start3A_27] : memref<10240x128xf32, #tpu.memory_space<hbm>> -> memref<10240x128xf32, #tpu.memory_space<hbm>>
      tpu.enqueue_indirect_dma source(%dma_start3A_28 : memref<10240x128xf32, #tpu.memory_space<hbm>>) target(%arg8 : memref<128x128xf32, #tpu.memory_space<vmem>>) offsets(%arg6 : memref<128xi32, #tpu.memory_space<vmem>>) semaphore(%arg10 : memref<!tpu.dma_semaphore, #tpu.memory_space<semaphore_mem>>)
      %dma_wait3A = arith.constant 0 : i32
      %dma_wait3A_29 = arith.constant 0 : i32
      %dma_wait3A_30 = tpu.memref_slice %arg2[%dma_wait3A, %dma_wait3A_29] : memref<10240x128xf32, #tpu.memory_space<hbm>> -> memref<10240x128xf32, #tpu.memory_space<hbm>>
      tpu.wait_indirect_dma semaphore(%arg10 : memref<!tpu.dma_semaphore, #tpu.memory_space<semaphore_mem>>) src(%dma_wait3A_30 : memref<10240x128xf32, #tpu.memory_space<hbm>>) dst(%arg8 : memref<128x128xf32, #tpu.memory_space<vmem>>)
      "tpu.region"() ({
        %run_scoped3A = tpu.sem_alloc : memref<!tpu.dma_semaphore, #tpu.memory_space<semaphore_mem>>
        %dma_start3A_31 = tpu.memref_slice %arg4[%add3A_26] : memref<323584xi32, #tpu.memory_space<hbm>> -> memref<128xi32, #tpu.memory_space<hbm>>
        %dma_start3A_32 = tpu.memref_slice %arg4[%add3A_26] : memref<323584xi32, #tpu.memory_space<hbm>> -> memref<128xi32, #tpu.memory_space<hbm>>
        tpu.enqueue_dma source(%dma_start3A_32 : memref<128xi32, #tpu.memory_space<hbm>>) target(%arg7 : memref<128xi32, #tpu.memory_space<vmem>>) target_semaphore(%run_scoped3A : memref<!tpu.dma_semaphore, #tpu.memory_space<semaphore_mem>>)
        %dma_wait3A_33 = tpu.memref_slice %arg4[%add3A_26] : memref<323584xi32, #tpu.memory_space<hbm>> -> memref<128xi32, #tpu.memory_space<hbm>>
        %dma_wait3A_34 = tpu.memref_slice %arg4[%add3A_26] : memref<323584xi32, #tpu.memory_space<hbm>> -> memref<128xi32, #tpu.memory_space<hbm>>
        tpu.wait_dma2 semaphore(%run_scoped3A : memref<!tpu.dma_semaphore, #tpu.memory_space<semaphore_mem>>) src(%dma_wait3A_34 : memref<128xi32, #tpu.memory_space<hbm>>) dst(%arg7 : memref<128xi32, #tpu.memory_space<vmem>>)
        tpu.yield
      }) : () -> ()
      "tpu.region"() ({
        %run_scoped3A = tpu.sem_alloc : memref<!tpu.dma_semaphore, #tpu.memory_space<semaphore_mem>>
        %dma_start3A_31 = arith.constant 0 : i32
        %dma_start3A_32 = arith.constant 0 : i32
        %dma_start3A_33 = tpu.memref_slice %arg9[%dma_start3A_31, %dma_start3A_32] : memref<10240x128xf32, #tpu.memory_space<vmem_shared>> -> memref<10240x128xf32, #tpu.memory_space<vmem_shared>>
        tpu.enqueue_indirect_dma source(%arg8 : memref<128x128xf32, #tpu.memory_space<vmem>>) target(%dma_start3A_33 : memref<10240x128xf32, #tpu.memory_space<vmem_shared>>) offsets(%arg7 : memref<128xi32, #tpu.memory_space<vmem>>) semaphore(%run_scoped3A : memref<!tpu.dma_semaphore, #tpu.memory_space<semaphore_mem>>) {add = true}
        %dma_wait3A_34 = arith.constant 0 : i32
        %dma_wait3A_35 = arith.constant 0 : i32
        %dma_wait3A_36 = tpu.memref_slice %arg9[%dma_wait3A_34, %dma_wait3A_35] : memref<10240x128xf32, #tpu.memory_space<vmem_shared>> -> memref<10240x128xf32, #tpu.memory_space<vmem_shared>>
        tpu.wait_indirect_dma semaphore(%run_scoped3A : memref<!tpu.dma_semaphore, #tpu.memory_space<semaphore_mem>>) src(%arg8 : memref<128x128xf32, #tpu.memory_space<vmem>>) dst(%dma_wait3A_36 : memref<10240x128xf32, #tpu.memory_space<vmem_shared>>)
        tpu.yield
      }) : () -> ()
    }
    %scan3A_21 = arith.constant 79 : i32
    %barrier3A_22 = arith.constant 0 : index
    tpu.barrier barrier_id(%barrier3A_22)
    "tpu.region"() ({
      %run_scoped3A = tpu.sem_alloc : memref<!tpu.dma_semaphore, #tpu.memory_space<semaphore_mem>>
      %dma_start3A = arith.constant 0 : i32
      %dma_start3A_23 = tpu.memref_slice %arg5[%arg0, %mul3A_7, %dma_start3A] : memref<2x10240x128xf32, #tpu.memory_space<hbm>> -> memref<1x640x128xf32, #tpu.memory_space<hbm>>
      %dma_start3A_24 = tpu.memref_squeeze %dma_start3A_23 : memref<1x640x128xf32, #tpu.memory_space<hbm>> -> memref<640x128xf32, #tpu.memory_space<hbm>>
      %dma_start3A_25 = arith.constant 0 : i32
      %dma_start3A_26 = tpu.memref_slice %arg9[%mul3A_7, %dma_start3A_25] : memref<10240x128xf32, #tpu.memory_space<vmem_shared>> -> memref<640x128xf32, #tpu.memory_space<vmem_shared>>
      tpu.enqueue_dma source(%dma_start3A_26 : memref<640x128xf32, #tpu.memory_space<vmem_shared>>) target(%dma_start3A_24 : memref<640x128xf32, #tpu.memory_space<hbm>>) target_semaphore(%run_scoped3A : memref<!tpu.dma_semaphore, #tpu.memory_space<semaphore_mem>>)
      %dma_wait3A = arith.constant 0 : i32
      %dma_wait3A_27 = tpu.memref_slice %arg5[%arg0, %mul3A_7, %dma_wait3A] : memref<2x10240x128xf32, #tpu.memory_space<hbm>> -> memref<1x640x128xf32, #tpu.memory_space<hbm>>
      %dma_wait3A_28 = tpu.memref_squeeze %dma_wait3A_27 : memref<1x640x128xf32, #tpu.memory_space<hbm>> -> memref<640x128xf32, #tpu.memory_space<hbm>>
      %dma_wait3A_29 = arith.constant 0 : i32
      %dma_wait3A_30 = tpu.memref_slice %arg9[%mul3A_7, %dma_wait3A_29] : memref<10240x128xf32, #tpu.memory_space<vmem_shared>> -> memref<640x128xf32, #tpu.memory_space<vmem_shared>>
      tpu.wait_dma2 semaphore(%run_scoped3A : memref<!tpu.dma_semaphore, #tpu.memory_space<semaphore_mem>>) src(%dma_wait3A_30 : memref<640x128xf32, #tpu.memory_space<vmem_shared>>) dst(%dma_wait3A_28 : memref<640x128xf32, #tpu.memory_space<hbm>>)
      tpu.yield
    }) : () -> ()
    return
  }
}

#map = affine_map<(d0, d1) -> (0)>
#map1 = affine_map<(d0, d1) -> (0, 0, 0)>
module attributes {stable_mosaic.version = 14 : i64} {
  func.func @kern(%arg0: i32, %arg1: i32, %arg2: memref<323584xi32, #tpu.memory_space<hbm>>, %arg3: memref<2x10240x128xf32, #tpu.memory_space<hbm>>, %arg4: memref<128xi32, #tpu.memory_space<vmem>>, %arg5: memref<128x128xf32, #tpu.memory_space<vmem>>, %arg6: memref<128x128xf32, #tpu.memory_space<vmem>>, %arg7: memref<10240x128xf32, #tpu.memory_space<vmem_shared>>) attributes {dimension_semantics = [#tpu.dimension_semantics<core_parallel>, #tpu.dimension_semantics<subcore_parallel>], iteration_bounds = array<i64: 2, 16>, scalar_prefetch = 0 : i64, scratch_operands = 4 : i64, tpu.core_type = #tpu.core_type<sc_vector_subcore>, window_params = [{transform_indices = #map}, {transform_indices = #map1}]} {
    %mul3A = arith.constant 16 : i32
    %mul3A_0 = arith.muli %arg0, %mul3A : i32
    %add3A = arith.addi %mul3A_0, %arg1 : i32
    %scan3A = arith.constant 0 : i32
    %scan3A_1 = arith.constant 0 : i32
    %scan3A_2 = arith.constant 128 : i32
    %scan3A_3 = arith.addi %scan3A_1, %scan3A_2 : i32
    %scan3A_4 = arith.constant 1 : i32
    scf.for %scan3A_23 = %scan3A_1 to %scan3A_3 step %scan3A_4  : i32 {
      %broadcast_in_dim3A = arith.constant 1.000000e+00 : f32
      %broadcast_in_dim3A_24 = vector.broadcast %broadcast_in_dim3A : f32 to vector<16xf32>
      %swap3A = arith.index_cast %scan3A_23 : i32 to index
      %swap3A_25 = arith.constant 0 : index
      %swap3A_26 = tpu.vector_load %arg5[%swap3A, %swap3A_25] {strides = array<i32>} : memref<128x128xf32, #tpu.memory_space<vmem>>, vector<1x16xf32>,
      %swap3A_27 = vector.shape_cast %swap3A_26 : vector<1x16xf32> to vector<16xf32>
      %swap3A_28 = vector.shape_cast %broadcast_in_dim3A_24 : vector<16xf32> to vector<1x16xf32>
      tpu.vector_store %arg5[%swap3A, %swap3A_25], %swap3A_28 {strides = array<i32>} : memref<128x128xf32, #tpu.memory_space<vmem>>, vector<1x16xf32>,
      %broadcast_in_dim3A_29 = arith.constant 0.000000e+00 : f32
      %broadcast_in_dim3A_30 = vector.broadcast %broadcast_in_dim3A_29 : f32 to vector<16xf32>
      %swap3A_31 = arith.index_cast %scan3A_23 : i32 to index
      %swap3A_32 = arith.constant 0 : index
      %swap3A_33 = tpu.vector_load %arg6[%swap3A_31, %swap3A_32] {strides = array<i32>} : memref<128x128xf32, #tpu.memory_space<vmem>>, vector<1x16xf32>,
      %swap3A_34 = vector.shape_cast %swap3A_33 : vector<1x16xf32> to vector<16xf32>
      %swap3A_35 = vector.shape_cast %broadcast_in_dim3A_30 : vector<16xf32> to vector<1x16xf32>
      tpu.vector_store %arg6[%swap3A_31, %swap3A_32], %swap3A_35 {strides = array<i32>} : memref<128x128xf32, #tpu.memory_space<vmem>>, vector<1x16xf32>,
      %broadcast_in_dim3A_36 = arith.constant 1.000000e+00 : f32
      %broadcast_in_dim3A_37 = vector.broadcast %broadcast_in_dim3A_36 : f32 to vector<16xf32>
      %swap3A_38 = arith.index_cast %scan3A_23 : i32 to index
      %swap3A_39 = arith.constant 16 : index
      %swap3A_40 = tpu.vector_load %arg5[%swap3A_38, %swap3A_39] {strides = array<i32>} : memref<128x128xf32, #tpu.memory_space<vmem>>, vector<1x16xf32>,
      %swap3A_41 = vector.shape_cast %swap3A_40 : vector<1x16xf32> to vector<16xf32>
      %swap3A_42 = vector.shape_cast %broadcast_in_dim3A_37 : vector<16xf32> to vector<1x16xf32>
      tpu.vector_store %arg5[%swap3A_38, %swap3A_39], %swap3A_42 {strides = array<i32>} : memref<128x128xf32, #tpu.memory_space<vmem>>, vector<1x16xf32>,
      %broadcast_in_dim3A_43 = arith.constant 0.000000e+00 : f32
      %broadcast_in_dim3A_44 = vector.broadcast %broadcast_in_dim3A_43 : f32 to vector<16xf32>
      %swap3A_45 = arith.index_cast %scan3A_23 : i32 to index
      %swap3A_46 = arith.constant 16 : index
      %swap3A_47 = tpu.vector_load %arg6[%swap3A_45, %swap3A_46] {strides = array<i32>} : memref<128x128xf32, #tpu.memory_space<vmem>>, vector<1x16xf32>,
      %swap3A_48 = vector.shape_cast %swap3A_47 : vector<1x16xf32> to vector<16xf32>
      %swap3A_49 = vector.shape_cast %broadcast_in_dim3A_44 : vector<16xf32> to vector<1x16xf32>
      tpu.vector_store %arg6[%swap3A_45, %swap3A_46], %swap3A_49 {strides = array<i32>} : memref<128x128xf32, #tpu.memory_space<vmem>>, vector<1x16xf32>,
      %broadcast_in_dim3A_50 = arith.constant 1.000000e+00 : f32
      %broadcast_in_dim3A_51 = vector.broadcast %broadcast_in_dim3A_50 : f32 to vector<16xf32>
      %swap3A_52 = arith.index_cast %scan3A_23 : i32 to index
      %swap3A_53 = arith.constant 32 : index
      %swap3A_54 = tpu.vector_load %arg5[%swap3A_52, %swap3A_53] {strides = array<i32>} : memref<128x128xf32, #tpu.memory_space<vmem>>, vector<1x16xf32>,
      %swap3A_55 = vector.shape_cast %swap3A_54 : vector<1x16xf32> to vector<16xf32>
      %swap3A_56 = vector.shape_cast %broadcast_in_dim3A_51 : vector<16xf32> to vector<1x16xf32>
      tpu.vector_store %arg5[%swap3A_52, %swap3A_53], %swap3A_56 {strides = array<i32>} : memref<128x128xf32, #tpu.memory_space<vmem>>, vector<1x16xf32>,
      %broadcast_in_dim3A_57 = arith.constant 0.000000e+00 : f32
      %broadcast_in_dim3A_58 = vector.broadcast %broadcast_in_dim3A_57 : f32 to vector<16xf32>
      %swap3A_59 = arith.index_cast %scan3A_23 : i32 to index
      %swap3A_60 = arith.constant 32 : index
      %swap3A_61 = tpu.vector_load %arg6[%swap3A_59, %swap3A_60] {strides = array<i32>} : memref<128x128xf32, #tpu.memory_space<vmem>>, vector<1x16xf32>,
      %swap3A_62 = vector.shape_cast %swap3A_61 : vector<1x16xf32> to vector<16xf32>
      %swap3A_63 = vector.shape_cast %broadcast_in_dim3A_58 : vector<16xf32> to vector<1x16xf32>
      tpu.vector_store %arg6[%swap3A_59, %swap3A_60], %swap3A_63 {strides = array<i32>} : memref<128x128xf32, #tpu.memory_space<vmem>>, vector<1x16xf32>,
      %broadcast_in_dim3A_64 = arith.constant 1.000000e+00 : f32
      %broadcast_in_dim3A_65 = vector.broadcast %broadcast_in_dim3A_64 : f32 to vector<16xf32>
      %swap3A_66 = arith.index_cast %scan3A_23 : i32 to index
      %swap3A_67 = arith.constant 48 : index
      %swap3A_68 = tpu.vector_load %arg5[%swap3A_66, %swap3A_67] {strides = array<i32>} : memref<128x128xf32, #tpu.memory_space<vmem>>, vector<1x16xf32>,
      %swap3A_69 = vector.shape_cast %swap3A_68 : vector<1x16xf32> to vector<16xf32>
      %swap3A_70 = vector.shape_cast %broadcast_in_dim3A_65 : vector<16xf32> to vector<1x16xf32>
      tpu.vector_store %arg5[%swap3A_66, %swap3A_67], %swap3A_70 {strides = array<i32>} : memref<128x128xf32, #tpu.memory_space<vmem>>, vector<1x16xf32>,
      %broadcast_in_dim3A_71 = arith.constant 0.000000e+00 : f32
      %broadcast_in_dim3A_72 = vector.broadcast %broadcast_in_dim3A_71 : f32 to vector<16xf32>
      %swap3A_73 = arith.index_cast %scan3A_23 : i32 to index
      %swap3A_74 = arith.constant 48 : index
      %swap3A_75 = tpu.vector_load %arg6[%swap3A_73, %swap3A_74] {strides = array<i32>} : memref<128x128xf32, #tpu.memory_space<vmem>>, vector<1x16xf32>,
      %swap3A_76 = vector.shape_cast %swap3A_75 : vector<1x16xf32> to vector<16xf32>
      %swap3A_77 = vector.shape_cast %broadcast_in_dim3A_72 : vector<16xf32> to vector<1x16xf32>
      tpu.vector_store %arg6[%swap3A_73, %swap3A_74], %swap3A_77 {strides = array<i32>} : memref<128x128xf32, #tpu.memory_space<vmem>>, vector<1x16xf32>,
      %broadcast_in_dim3A_78 = arith.constant 1.000000e+00 : f32
      %broadcast_in_dim3A_79 = vector.broadcast %broadcast_in_dim3A_78 : f32 to vector<16xf32>
      %swap3A_80 = arith.index_cast %scan3A_23 : i32 to index
      %swap3A_81 = arith.constant 64 : index
      %swap3A_82 = tpu.vector_load %arg5[%swap3A_80, %swap3A_81] {strides = array<i32>} : memref<128x128xf32, #tpu.memory_space<vmem>>, vector<1x16xf32>,
      %swap3A_83 = vector.shape_cast %swap3A_82 : vector<1x16xf32> to vector<16xf32>
      %swap3A_84 = vector.shape_cast %broadcast_in_dim3A_79 : vector<16xf32> to vector<1x16xf32>
      tpu.vector_store %arg5[%swap3A_80, %swap3A_81], %swap3A_84 {strides = array<i32>} : memref<128x128xf32, #tpu.memory_space<vmem>>, vector<1x16xf32>,
      %broadcast_in_dim3A_85 = arith.constant 0.000000e+00 : f32
      %broadcast_in_dim3A_86 = vector.broadcast %broadcast_in_dim3A_85 : f32 to vector<16xf32>
      %swap3A_87 = arith.index_cast %scan3A_23 : i32 to index
      %swap3A_88 = arith.constant 64 : index
      %swap3A_89 = tpu.vector_load %arg6[%swap3A_87, %swap3A_88] {strides = array<i32>} : memref<128x128xf32, #tpu.memory_space<vmem>>, vector<1x16xf32>,
      %swap3A_90 = vector.shape_cast %swap3A_89 : vector<1x16xf32> to vector<16xf32>
      %swap3A_91 = vector.shape_cast %broadcast_in_dim3A_86 : vector<16xf32> to vector<1x16xf32>
      tpu.vector_store %arg6[%swap3A_87, %swap3A_88], %swap3A_91 {strides = array<i32>} : memref<128x128xf32, #tpu.memory_space<vmem>>, vector<1x16xf32>,
      %broadcast_in_dim3A_92 = arith.constant 1.000000e+00 : f32
      %broadcast_in_dim3A_93 = vector.broadcast %broadcast_in_dim3A_92 : f32 to vector<16xf32>
      %swap3A_94 = arith.index_cast %scan3A_23 : i32 to index
      %swap3A_95 = arith.constant 80 : index
      %swap3A_96 = tpu.vector_load %arg5[%swap3A_94, %swap3A_95] {strides = array<i32>} : memref<128x128xf32, #tpu.memory_space<vmem>>, vector<1x16xf32>,
      %swap3A_97 = vector.shape_cast %swap3A_96 : vector<1x16xf32> to vector<16xf32>
      %swap3A_98 = vector.shape_cast %broadcast_in_dim3A_93 : vector<16xf32> to vector<1x16xf32>
      tpu.vector_store %arg5[%swap3A_94, %swap3A_95], %swap3A_98 {strides = array<i32>} : memref<128x128xf32, #tpu.memory_space<vmem>>, vector<1x16xf32>,
      %broadcast_in_dim3A_99 = arith.constant 0.000000e+00 : f32
      %broadcast_in_dim3A_100 = vector.broadcast %broadcast_in_dim3A_99 : f32 to vector<16xf32>
      %swap3A_101 = arith.index_cast %scan3A_23 : i32 to index
      %swap3A_102 = arith.constant 80 : index
      %swap3A_103 = tpu.vector_load %arg6[%swap3A_101, %swap3A_102] {strides = array<i32>} : memref<128x128xf32, #tpu.memory_space<vmem>>, vector<1x16xf32>,
      %swap3A_104 = vector.shape_cast %swap3A_103 : vector<1x16xf32> to vector<16xf32>
      %swap3A_105 = vector.shape_cast %broadcast_in_dim3A_100 : vector<16xf32> to vector<1x16xf32>
      tpu.vector_store %arg6[%swap3A_101, %swap3A_102], %swap3A_105 {strides = array<i32>} : memref<128x128xf32, #tpu.memory_space<vmem>>, vector<1x16xf32>,
      %broadcast_in_dim3A_106 = arith.constant 1.000000e+00 : f32
      %broadcast_in_dim3A_107 = vector.broadcast %broadcast_in_dim3A_106 : f32 to vector<16xf32>
      %swap3A_108 = arith.index_cast %scan3A_23 : i32 to index
      %swap3A_109 = arith.constant 96 : index
      %swap3A_110 = tpu.vector_load %arg5[%swap3A_108, %swap3A_109] {strides = array<i32>} : memref<128x128xf32, #tpu.memory_space<vmem>>, vector<1x16xf32>,
      %swap3A_111 = vector.shape_cast %swap3A_110 : vector<1x16xf32> to vector<16xf32>
      %swap3A_112 = vector.shape_cast %broadcast_in_dim3A_107 : vector<16xf32> to vector<1x16xf32>
      tpu.vector_store %arg5[%swap3A_108, %swap3A_109], %swap3A_112 {strides = array<i32>} : memref<128x128xf32, #tpu.memory_space<vmem>>, vector<1x16xf32>,
      %broadcast_in_dim3A_113 = arith.constant 0.000000e+00 : f32
      %broadcast_in_dim3A_114 = vector.broadcast %broadcast_in_dim3A_113 : f32 to vector<16xf32>
      %swap3A_115 = arith.index_cast %scan3A_23 : i32 to index
      %swap3A_116 = arith.constant 96 : index
      %swap3A_117 = tpu.vector_load %arg6[%swap3A_115, %swap3A_116] {strides = array<i32>} : memref<128x128xf32, #tpu.memory_space<vmem>>, vector<1x16xf32>,
      %swap3A_118 = vector.shape_cast %swap3A_117 : vector<1x16xf32> to vector<16xf32>
      %swap3A_119 = vector.shape_cast %broadcast_in_dim3A_114 : vector<16xf32> to vector<1x16xf32>
      tpu.vector_store %arg6[%swap3A_115, %swap3A_116], %swap3A_119 {strides = array<i32>} : memref<128x128xf32, #tpu.memory_space<vmem>>, vector<1x16xf32>,
      %broadcast_in_dim3A_120 = arith.constant 1.000000e+00 : f32
      %broadcast_in_dim3A_121 = vector.broadcast %broadcast_in_dim3A_120 : f32 to vector<16xf32>
      %swap3A_122 = arith.index_cast %scan3A_23 : i32 to index
      %swap3A_123 = arith.constant 112 : index
      %swap3A_124 = tpu.vector_load %arg5[%swap3A_122, %swap3A_123] {strides = array<i32>} : memref<128x128xf32, #tpu.memory_space<vmem>>, vector<1x16xf32>,
      %swap3A_125 = vector.shape_cast %swap3A_124 : vector<1x16xf32> to vector<16xf32>
      %swap3A_126 = vector.shape_cast %broadcast_in_dim3A_121 : vector<16xf32> to vector<1x16xf32>
      tpu.vector_store %arg5[%swap3A_122, %swap3A_123], %swap3A_126 {strides = array<i32>} : memref<128x128xf32, #tpu.memory_space<vmem>>, vector<1x16xf32>,
      %broadcast_in_dim3A_127 = arith.constant 0.000000e+00 : f32
      %broadcast_in_dim3A_128 = vector.broadcast %broadcast_in_dim3A_127 : f32 to vector<16xf32>
      %swap3A_129 = arith.index_cast %scan3A_23 : i32 to index
      %swap3A_130 = arith.constant 112 : index
      %swap3A_131 = tpu.vector_load %arg6[%swap3A_129, %swap3A_130] {strides = array<i32>} : memref<128x128xf32, #tpu.memory_space<vmem>>, vector<1x16xf32>,
      %swap3A_132 = vector.shape_cast %swap3A_131 : vector<1x16xf32> to vector<16xf32>
      %swap3A_133 = vector.shape_cast %broadcast_in_dim3A_128 : vector<16xf32> to vector<1x16xf32>
      tpu.vector_store %arg6[%swap3A_129, %swap3A_130], %swap3A_133 {strides = array<i32>} : memref<128x128xf32, #tpu.memory_space<vmem>>, vector<1x16xf32>,
    }
    %scan3A_5 = arith.constant 128 : i32
    %mul3A_6 = arith.constant 640 : i32
    %mul3A_7 = arith.muli %arg1, %mul3A_6 : i32
    %scan3A_8 = arith.constant 0 : i32
    %scan3A_9 = arith.constant 0 : i32
    %scan3A_10 = arith.constant 5 : i32
    %scan3A_11 = arith.addi %scan3A_9, %scan3A_10 : i32
    %scan3A_12 = arith.constant 1 : i32
    scf.for %scan3A_23 = %scan3A_9 to %scan3A_11 step %scan3A_12  : i32 {
      %mul3A_24 = arith.constant 128 : i32
      %mul3A_25 = arith.muli %scan3A_23, %mul3A_24 : i32
      %add3A_26 = arith.addi %mul3A_7, %mul3A_25 : i32
      "tpu.region"() ({
        %run_scoped3A = tpu.sem_alloc : memref<!tpu.dma_semaphore, #tpu.memory_space<semaphore_mem>>
        %dma_start3A = arith.constant 0 : i32
        %dma_start3A_27 = tpu.memref_slice %arg7[%add3A_26, %dma_start3A] : memref<10240x128xf32, #tpu.memory_space<vmem_shared>> -> memref<128x128xf32, #tpu.memory_space<vmem_shared>>
        %dma_start3A_28 = arith.constant 0 : i32
        %dma_start3A_29 = tpu.memref_slice %arg7[%add3A_26, %dma_start3A_28] : memref<10240x128xf32, #tpu.memory_space<vmem_shared>> -> memref<128x128xf32, #tpu.memory_space<vmem_shared>>
        tpu.enqueue_dma source(%arg6 : memref<128x128xf32, #tpu.memory_space<vmem>>) target(%dma_start3A_29 : memref<128x128xf32, #tpu.memory_space<vmem_shared>>) target_semaphore(%run_scoped3A : memref<!tpu.dma_semaphore, #tpu.memory_space<semaphore_mem>>)
        %dma_wait3A = arith.constant 0 : i32
        %dma_wait3A_30 = tpu.memref_slice %arg7[%add3A_26, %dma_wait3A] : memref<10240x128xf32, #tpu.memory_space<vmem_shared>> -> memref<128x128xf32, #tpu.memory_space<vmem_shared>>
        %dma_wait3A_31 = arith.constant 0 : i32
        %dma_wait3A_32 = tpu.memref_slice %arg7[%add3A_26, %dma_wait3A_31] : memref<10240x128xf32, #tpu.memory_space<vmem_shared>> -> memref<128x128xf32, #tpu.memory_space<vmem_shared>>
        tpu.wait_dma2 semaphore(%run_scoped3A : memref<!tpu.dma_semaphore, #tpu.memory_space<semaphore_mem>>) src(%arg6 : memref<128x128xf32, #tpu.memory_space<vmem>>) dst(%dma_wait3A_32 : memref<128x128xf32, #tpu.memory_space<vmem_shared>>)
        tpu.yield
      }) : () -> ()
    }
    %scan3A_13 = arith.constant 5 : i32
    %barrier3A = arith.constant 0 : index
    tpu.barrier barrier_id(%barrier3A)
    %mul3A_14 = arith.constant 10112 : i32
    %mul3A_15 = arith.muli %add3A, %mul3A_14 : i32
    %scan3A_16 = arith.constant 0 : i32
    %scan3A_17 = arith.constant 0 : i32
    %scan3A_18 = arith.constant 79 : i32
    %scan3A_19 = arith.addi %scan3A_17, %scan3A_18 : i32
    %scan3A_20 = arith.constant 1 : i32
    scf.for %scan3A_23 = %scan3A_17 to %scan3A_19 step %scan3A_20  : i32 {
      %mul3A_24 = arith.constant 128 : i32
      %mul3A_25 = arith.muli %scan3A_23, %mul3A_24 : i32
      %add3A_26 = arith.addi %mul3A_15, %mul3A_25 : i32
      "tpu.region"() ({
        %run_scoped3A = tpu.sem_alloc : memref<!tpu.dma_semaphore, #tpu.memory_space<semaphore_mem>>
        %dma_start3A = tpu.memref_slice %arg2[%add3A_26] : memref<323584xi32, #tpu.memory_space<hbm>> -> memref<128xi32, #tpu.memory_space<hbm>>
        %dma_start3A_27 = tpu.memref_slice %arg2[%add3A_26] : memref<323584xi32, #tpu.memory_space<hbm>> -> memref<128xi32, #tpu.memory_space<hbm>>
        tpu.enqueue_dma source(%dma_start3A_27 : memref<128xi32, #tpu.memory_space<hbm>>) target(%arg4 : memref<128xi32, #tpu.memory_space<vmem>>) target_semaphore(%run_scoped3A : memref<!tpu.dma_semaphore, #tpu.memory_space<semaphore_mem>>)
        %dma_wait3A = tpu.memref_slice %arg2[%add3A_26] : memref<323584xi32, #tpu.memory_space<hbm>> -> memref<128xi32, #tpu.memory_space<hbm>>
        %dma_wait3A_28 = tpu.memref_slice %arg2[%add3A_26] : memref<323584xi32, #tpu.memory_space<hbm>> -> memref<128xi32, #tpu.memory_space<hbm>>
        tpu.wait_dma2 semaphore(%run_scoped3A : memref<!tpu.dma_semaphore, #tpu.memory_space<semaphore_mem>>) src(%dma_wait3A_28 : memref<128xi32, #tpu.memory_space<hbm>>) dst(%arg4 : memref<128xi32, #tpu.memory_space<vmem>>)
        tpu.yield
      }) : () -> ()
      "tpu.region"() ({
        %run_scoped3A = tpu.sem_alloc : memref<!tpu.dma_semaphore, #tpu.memory_space<semaphore_mem>>
        %dma_start3A = arith.constant 0 : i32
        %dma_start3A_27 = arith.constant 0 : i32
        %dma_start3A_28 = tpu.memref_slice %arg7[%dma_start3A, %dma_start3A_27] : memref<10240x128xf32, #tpu.memory_space<vmem_shared>> -> memref<10240x128xf32, #tpu.memory_space<vmem_shared>>
        tpu.enqueue_indirect_dma source(%arg5 : memref<128x128xf32, #tpu.memory_space<vmem>>) target(%dma_start3A_28 : memref<10240x128xf32, #tpu.memory_space<vmem_shared>>) offsets(%arg4 : memref<128xi32, #tpu.memory_space<vmem>>) semaphore(%run_scoped3A : memref<!tpu.dma_semaphore, #tpu.memory_space<semaphore_mem>>) {add = true}
        %dma_wait3A = arith.constant 0 : i32
        %dma_wait3A_29 = arith.constant 0 : i32
        %dma_wait3A_30 = tpu.memref_slice %arg7[%dma_wait3A, %dma_wait3A_29] : memref<10240x128xf32, #tpu.memory_space<vmem_shared>> -> memref<10240x128xf32, #tpu.memory_space<vmem_shared>>
        tpu.wait_indirect_dma semaphore(%run_scoped3A : memref<!tpu.dma_semaphore, #tpu.memory_space<semaphore_mem>>) src(%arg5 : memref<128x128xf32, #tpu.memory_space<vmem>>) dst(%dma_wait3A_30 : memref<10240x128xf32, #tpu.memory_space<vmem_shared>>)
        tpu.yield
      }) : () -> ()
    }
    %scan3A_21 = arith.constant 79 : i32
    %barrier3A_22 = arith.constant 0 : index
    tpu.barrier barrier_id(%barrier3A_22)
    "tpu.region"() ({
      %run_scoped3A = tpu.sem_alloc : memref<!tpu.dma_semaphore, #tpu.memory_space<semaphore_mem>>
      %dma_start3A = arith.constant 0 : i32
      %dma_start3A_23 = tpu.memref_slice %arg3[%arg0, %mul3A_7, %dma_start3A] : memref<2x10240x128xf32, #tpu.memory_space<hbm>> -> memref<1x640x128xf32, #tpu.memory_space<hbm>>
      %dma_start3A_24 = tpu.memref_squeeze %dma_start3A_23 : memref<1x640x128xf32, #tpu.memory_space<hbm>> -> memref<640x128xf32, #tpu.memory_space<hbm>>
      %dma_start3A_25 = arith.constant 0 : i32
      %dma_start3A_26 = tpu.memref_slice %arg7[%mul3A_7, %dma_start3A_25] : memref<10240x128xf32, #tpu.memory_space<vmem_shared>> -> memref<640x128xf32, #tpu.memory_space<vmem_shared>>
      tpu.enqueue_dma source(%dma_start3A_26 : memref<640x128xf32, #tpu.memory_space<vmem_shared>>) target(%dma_start3A_24 : memref<640x128xf32, #tpu.memory_space<hbm>>) target_semaphore(%run_scoped3A : memref<!tpu.dma_semaphore, #tpu.memory_space<semaphore_mem>>)
      %dma_wait3A = arith.constant 0 : i32
      %dma_wait3A_27 = tpu.memref_slice %arg3[%arg0, %mul3A_7, %dma_wait3A] : memref<2x10240x128xf32, #tpu.memory_space<hbm>> -> memref<1x640x128xf32, #tpu.memory_space<hbm>>
      %dma_wait3A_28 = tpu.memref_squeeze %dma_wait3A_27 : memref<1x640x128xf32, #tpu.memory_space<hbm>> -> memref<640x128xf32, #tpu.memory_space<hbm>>
      %dma_wait3A_29 = arith.constant 0 : i32
      %dma_wait3A_30 = tpu.memref_slice %arg7[%mul3A_7, %dma_wait3A_29] : memref<10240x128xf32, #tpu.memory_space<vmem_shared>> -> memref<640x128xf32, #tpu.memory_space<vmem_shared>>
      tpu.wait_dma2 semaphore(%run_scoped3A : memref<!tpu.dma_semaphore, #tpu.memory_space<semaphore_mem>>) src(%dma_wait3A_30 : memref<640x128xf32, #tpu.memory_space<vmem_shared>>) dst(%dma_wait3A_28 : memref<640x128xf32, #tpu.memory_space<hbm>>)
      tpu.yield
    }) : () -> ()
    return
  }
}

#map = affine_map<(d0, d1) -> (0, 0)>
#map1 = affine_map<(d0, d1) -> (0)>
#map2 = affine_map<(d0, d1) -> (0, 0, 0)>
module attributes {stable_mosaic.version = 14 : i64} {
  func.func @kern(%arg0: i32, %arg1: i32, %arg2: memref<10240x128xf32, #tpu.memory_space<hbm>>, %arg3: memref<323584xi32, #tpu.memory_space<hbm>>, %arg4: memref<323584xi32, #tpu.memory_space<hbm>>, %arg5: memref<2x10240x128xf32, #tpu.memory_space<hbm>>, %arg6: memref<128xi32, #tpu.memory_space<vmem>>, %arg7: memref<128xi32, #tpu.memory_space<vmem>>, %arg8: memref<128x128xf32, #tpu.memory_space<vmem>>, %arg9: memref<10240x128xf32, #tpu.memory_space<vmem_shared>>, %arg10: memref<!tpu.dma_semaphore, #tpu.memory_space<semaphore_mem>>) attributes {dimension_semantics = [#tpu.dimension_semantics<core_parallel>, #tpu.dimension_semantics<subcore_parallel>], iteration_bounds = array<i64: 2, 16>, scalar_prefetch = 0 : i64, scratch_operands = 5 : i64, tpu.core_type = #tpu.core_type<sc_vector_subcore>, window_params = [{transform_indices = #map}, {transform_indices = #map1}, {transform_indices = #map1}, {transform_indices = #map2}]} {
    %mul3A = arith.constant 16 : i32
    %mul3A_0 = arith.muli %arg0, %mul3A : i32
    %add3A = arith.addi %mul3A_0, %arg1 : i32
    %scan3A = arith.constant 0 : i32
    %scan3A_1 = arith.constant 0 : i32
    %scan3A_2 = arith.constant 128 : i32
    %scan3A_3 = arith.addi %scan3A_1, %scan3A_2 : i32
    %scan3A_4 = arith.constant 1 : i32
    scf.for %scan3A_23 = %scan3A_1 to %scan3A_3 step %scan3A_4  : i32 {
      %broadcast_in_dim3A = arith.constant 0.000000e+00 : f32
      %broadcast_in_dim3A_24 = vector.broadcast %broadcast_in_dim3A : f32 to vector<16xf32>
      %swap3A = arith.index_cast %scan3A_23 : i32 to index
      %swap3A_25 = arith.constant 0 : index
      %swap3A_26 = tpu.vector_load %arg8[%swap3A, %swap3A_25] {strides = array<i32>} : memref<128x128xf32, #tpu.memory_space<vmem>>, vector<1x16xf32>,
      %swap3A_27 = vector.shape_cast %swap3A_26 : vector<1x16xf32> to vector<16xf32>
      %swap3A_28 = vector.shape_cast %broadcast_in_dim3A_24 : vector<16xf32> to vector<1x16xf32>
      tpu.vector_store %arg8[%swap3A, %swap3A_25], %swap3A_28 {strides = array<i32>} : memref<128x128xf32, #tpu.memory_space<vmem>>, vector<1x16xf32>,
      %broadcast_in_dim3A_29 = arith.constant 0.000000e+00 : f32
      %broadcast_in_dim3A_30 = vector.broadcast %broadcast_in_dim3A_29 : f32 to vector<16xf32>
      %swap3A_31 = arith.index_cast %scan3A_23 : i32 to index
      %swap3A_32 = arith.constant 16 : index
      %swap3A_33 = tpu.vector_load %arg8[%swap3A_31, %swap3A_32] {strides = array<i32>} : memref<128x128xf32, #tpu.memory_space<vmem>>, vector<1x16xf32>,
      %swap3A_34 = vector.shape_cast %swap3A_33 : vector<1x16xf32> to vector<16xf32>
      %swap3A_35 = vector.shape_cast %broadcast_in_dim3A_30 : vector<16xf32> to vector<1x16xf32>
      tpu.vector_store %arg8[%swap3A_31, %swap3A_32], %swap3A_35 {strides = array<i32>} : memref<128x128xf32, #tpu.memory_space<vmem>>, vector<1x16xf32>,
      %broadcast_in_dim3A_36 = arith.constant 0.000000e+00 : f32
      %broadcast_in_dim3A_37 = vector.broadcast %broadcast_in_dim3A_36 : f32 to vector<16xf32>
      %swap3A_38 = arith.index_cast %scan3A_23 : i32 to index
      %swap3A_39 = arith.constant 32 : index
      %swap3A_40 = tpu.vector_load %arg8[%swap3A_38, %swap3A_39] {strides = array<i32>} : memref<128x128xf32, #tpu.memory_space<vmem>>, vector<1x16xf32>,
      %swap3A_41 = vector.shape_cast %swap3A_40 : vector<1x16xf32> to vector<16xf32>
      %swap3A_42 = vector.shape_cast %broadcast_in_dim3A_37 : vector<16xf32> to vector<1x16xf32>
      tpu.vector_store %arg8[%swap3A_38, %swap3A_39], %swap3A_42 {strides = array<i32>} : memref<128x128xf32, #tpu.memory_space<vmem>>, vector<1x16xf32>,
      %broadcast_in_dim3A_43 = arith.constant 0.000000e+00 : f32
      %broadcast_in_dim3A_44 = vector.broadcast %broadcast_in_dim3A_43 : f32 to vector<16xf32>
      %swap3A_45 = arith.index_cast %scan3A_23 : i32 to index
      %swap3A_46 = arith.constant 48 : index
      %swap3A_47 = tpu.vector_load %arg8[%swap3A_45, %swap3A_46] {strides = array<i32>} : memref<128x128xf32, #tpu.memory_space<vmem>>, vector<1x16xf32>,
      %swap3A_48 = vector.shape_cast %swap3A_47 : vector<1x16xf32> to vector<16xf32>
      %swap3A_49 = vector.shape_cast %broadcast_in_dim3A_44 : vector<16xf32> to vector<1x16xf32>
      tpu.vector_store %arg8[%swap3A_45, %swap3A_46], %swap3A_49 {strides = array<i32>} : memref<128x128xf32, #tpu.memory_space<vmem>>, vector<1x16xf32>,
      %broadcast_in_dim3A_50 = arith.constant 0.000000e+00 : f32
      %broadcast_in_dim3A_51 = vector.broadcast %broadcast_in_dim3A_50 : f32 to vector<16xf32>
      %swap3A_52 = arith.index_cast %scan3A_23 : i32 to index
      %swap3A_53 = arith.constant 64 : index
      %swap3A_54 = tpu.vector_load %arg8[%swap3A_52, %swap3A_53] {strides = array<i32>} : memref<128x128xf32, #tpu.memory_space<vmem>>, vector<1x16xf32>,
      %swap3A_55 = vector.shape_cast %swap3A_54 : vector<1x16xf32> to vector<16xf32>
      %swap3A_56 = vector.shape_cast %broadcast_in_dim3A_51 : vector<16xf32> to vector<1x16xf32>
      tpu.vector_store %arg8[%swap3A_52, %swap3A_53], %swap3A_56 {strides = array<i32>} : memref<128x128xf32, #tpu.memory_space<vmem>>, vector<1x16xf32>,
      %broadcast_in_dim3A_57 = arith.constant 0.000000e+00 : f32
      %broadcast_in_dim3A_58 = vector.broadcast %broadcast_in_dim3A_57 : f32 to vector<16xf32>
      %swap3A_59 = arith.index_cast %scan3A_23 : i32 to index
      %swap3A_60 = arith.constant 80 : index
      %swap3A_61 = tpu.vector_load %arg8[%swap3A_59, %swap3A_60] {strides = array<i32>} : memref<128x128xf32, #tpu.memory_space<vmem>>, vector<1x16xf32>,
      %swap3A_62 = vector.shape_cast %swap3A_61 : vector<1x16xf32> to vector<16xf32>
      %swap3A_63 = vector.shape_cast %broadcast_in_dim3A_58 : vector<16xf32> to vector<1x16xf32>
      tpu.vector_store %arg8[%swap3A_59, %swap3A_60], %swap3A_63 {strides = array<i32>} : memref<128x128xf32, #tpu.memory_space<vmem>>, vector<1x16xf32>,
      %broadcast_in_dim3A_64 = arith.constant 0.000000e+00 : f32
      %broadcast_in_dim3A_65 = vector.broadcast %broadcast_in_dim3A_64 : f32 to vector<16xf32>
      %swap3A_66 = arith.index_cast %scan3A_23 : i32 to index
      %swap3A_67 = arith.constant 96 : index
      %swap3A_68 = tpu.vector_load %arg8[%swap3A_66, %swap3A_67] {strides = array<i32>} : memref<128x128xf32, #tpu.memory_space<vmem>>, vector<1x16xf32>,
      %swap3A_69 = vector.shape_cast %swap3A_68 : vector<1x16xf32> to vector<16xf32>
      %swap3A_70 = vector.shape_cast %broadcast_in_dim3A_65 : vector<16xf32> to vector<1x16xf32>
      tpu.vector_store %arg8[%swap3A_66, %swap3A_67], %swap3A_70 {strides = array<i32>} : memref<128x128xf32, #tpu.memory_space<vmem>>, vector<1x16xf32>,
      %broadcast_in_dim3A_71 = arith.constant 0.000000e+00 : f32
      %broadcast_in_dim3A_72 = vector.broadcast %broadcast_in_dim3A_71 : f32 to vector<16xf32>
      %swap3A_73 = arith.index_cast %scan3A_23 : i32 to index
      %swap3A_74 = arith.constant 112 : index
      %swap3A_75 = tpu.vector_load %arg8[%swap3A_73, %swap3A_74] {strides = array<i32>} : memref<128x128xf32, #tpu.memory_space<vmem>>, vector<1x16xf32>,
      %swap3A_76 = vector.shape_cast %swap3A_75 : vector<1x16xf32> to vector<16xf32>
      %swap3A_77 = vector.shape_cast %broadcast_in_dim3A_72 : vector<16xf32> to vector<1x16xf32>
      tpu.vector_store %arg8[%swap3A_73, %swap3A_74], %swap3A_77 {strides = array<i32>} : memref<128x128xf32, #tpu.memory_space<vmem>>, vector<1x16xf32>,
    }
    %scan3A_5 = arith.constant 128 : i32
    %mul3A_6 = arith.constant 640 : i32
    %mul3A_7 = arith.muli %arg1, %mul3A_6 : i32
    %scan3A_8 = arith.constant 0 : i32
    %scan3A_9 = arith.constant 0 : i32
    %scan3A_10 = arith.constant 5 : i32
    %scan3A_11 = arith.addi %scan3A_9, %scan3A_10 : i32
    %scan3A_12 = arith.constant 1 : i32
    scf.for %scan3A_23 = %scan3A_9 to %scan3A_11 step %scan3A_12  : i32 {
      %mul3A_24 = arith.constant 128 : i32
      %mul3A_25 = arith.muli %scan3A_23, %mul3A_24 : i32
      %add3A_26 = arith.addi %mul3A_7, %mul3A_25 : i32
      "tpu.region"() ({
        %run_scoped3A = tpu.sem_alloc : memref<!tpu.dma_semaphore, #tpu.memory_space<semaphore_mem>>
        %dma_start3A = arith.constant 0 : i32
        %dma_start3A_27 = tpu.memref_slice %arg9[%add3A_26, %dma_start3A] : memref<10240x128xf32, #tpu.memory_space<vmem_shared>> -> memref<128x128xf32, #tpu.memory_space<vmem_shared>>
        %dma_start3A_28 = arith.constant 0 : i32
        %dma_start3A_29 = tpu.memref_slice %arg9[%add3A_26, %dma_start3A_28] : memref<10240x128xf32, #tpu.memory_space<vmem_shared>> -> memref<128x128xf32, #tpu.memory_space<vmem_shared>>
        tpu.enqueue_dma source(%arg8 : memref<128x128xf32, #tpu.memory_space<vmem>>) target(%dma_start3A_29 : memref<128x128xf32, #tpu.memory_space<vmem_shared>>) target_semaphore(%run_scoped3A : memref<!tpu.dma_semaphore, #tpu.memory_space<semaphore_mem>>)
        %dma_wait3A = arith.constant 0 : i32
        %dma_wait3A_30 = tpu.memref_slice %arg9[%add3A_26, %dma_wait3A] : memref<10240x128xf32, #tpu.memory_space<vmem_shared>> -> memref<128x128xf32, #tpu.memory_space<vmem_shared>>
        %dma_wait3A_31 = arith.constant 0 : i32
        %dma_wait3A_32 = tpu.memref_slice %arg9[%add3A_26, %dma_wait3A_31] : memref<10240x128xf32, #tpu.memory_space<vmem_shared>> -> memref<128x128xf32, #tpu.memory_space<vmem_shared>>
        tpu.wait_dma2 semaphore(%run_scoped3A : memref<!tpu.dma_semaphore, #tpu.memory_space<semaphore_mem>>) src(%arg8 : memref<128x128xf32, #tpu.memory_space<vmem>>) dst(%dma_wait3A_32 : memref<128x128xf32, #tpu.memory_space<vmem_shared>>)
        tpu.yield
      }) : () -> ()
    }
    %scan3A_13 = arith.constant 5 : i32
    %barrier3A = arith.constant 0 : index
    tpu.barrier barrier_id(%barrier3A)
    %mul3A_14 = arith.constant 10112 : i32
    %mul3A_15 = arith.muli %add3A, %mul3A_14 : i32
    %scan3A_16 = arith.constant 0 : i32
    %scan3A_17 = arith.constant 0 : i32
    %scan3A_18 = arith.constant 79 : i32
    %scan3A_19 = arith.addi %scan3A_17, %scan3A_18 : i32
    %scan3A_20 = arith.constant 1 : i32
    scf.for %scan3A_23 = %scan3A_17 to %scan3A_19 step %scan3A_20  : i32 {
      %mul3A_24 = arith.constant 128 : i32
      %mul3A_25 = arith.muli %scan3A_23, %mul3A_24 : i32
      %add3A_26 = arith.addi %mul3A_15, %mul3A_25 : i32
      "tpu.region"() ({
        %run_scoped3A = tpu.sem_alloc : memref<!tpu.dma_semaphore, #tpu.memory_space<semaphore_mem>>
        %dma_start3A_31 = tpu.memref_slice %arg3[%add3A_26] : memref<323584xi32, #tpu.memory_space<hbm>> -> memref<128xi32, #tpu.memory_space<hbm>>
        %dma_start3A_32 = tpu.memref_slice %arg3[%add3A_26] : memref<323584xi32, #tpu.memory_space<hbm>> -> memref<128xi32, #tpu.memory_space<hbm>>
        tpu.enqueue_dma source(%dma_start3A_32 : memref<128xi32, #tpu.memory_space<hbm>>) target(%arg6 : memref<128xi32, #tpu.memory_space<vmem>>) target_semaphore(%run_scoped3A : memref<!tpu.dma_semaphore, #tpu.memory_space<semaphore_mem>>)
        %dma_wait3A_33 = tpu.memref_slice %arg3[%add3A_26] : memref<323584xi32, #tpu.memory_space<hbm>> -> memref<128xi32, #tpu.memory_space<hbm>>
        %dma_wait3A_34 = tpu.memref_slice %arg3[%add3A_26] : memref<323584xi32, #tpu.memory_space<hbm>> -> memref<128xi32, #tpu.memory_space<hbm>>
        tpu.wait_dma2 semaphore(%run_scoped3A : memref<!tpu.dma_semaphore, #tpu.memory_space<semaphore_mem>>) src(%dma_wait3A_34 : memref<128xi32, #tpu.memory_space<hbm>>) dst(%arg6 : memref<128xi32, #tpu.memory_space<vmem>>)
        tpu.yield
      }) : () -> ()
      %dma_start3A = arith.constant 0 : i32
      %dma_start3A_27 = arith.constant 0 : i32
      %dma_start3A_28 = tpu.memref_slice %arg2[%dma_start3A, %dma_start3A_27] : memref<10240x128xf32, #tpu.memory_space<hbm>> -> memref<10240x128xf32, #tpu.memory_space<hbm>>
      tpu.enqueue_indirect_dma source(%dma_start3A_28 : memref<10240x128xf32, #tpu.memory_space<hbm>>) target(%arg8 : memref<128x128xf32, #tpu.memory_space<vmem>>) offsets(%arg6 : memref<128xi32, #tpu.memory_space<vmem>>) semaphore(%arg10 : memref<!tpu.dma_semaphore, #tpu.memory_space<semaphore_mem>>)
      %dma_wait3A = arith.constant 0 : i32
      %dma_wait3A_29 = arith.constant 0 : i32
      %dma_wait3A_30 = tpu.memref_slice %arg2[%dma_wait3A, %dma_wait3A_29] : memref<10240x128xf32, #tpu.memory_space<hbm>> -> memref<10240x128xf32, #tpu.memory_space<hbm>>
      tpu.wait_indirect_dma semaphore(%arg10 : memref<!tpu.dma_semaphore, #tpu.memory_space<semaphore_mem>>) src(%dma_wait3A_30 : memref<10240x128xf32, #tpu.memory_space<hbm>>) dst(%arg8 : memref<128x128xf32, #tpu.memory_space<vmem>>)
      "tpu.region"() ({
        %run_scoped3A = tpu.sem_alloc : memref<!tpu.dma_semaphore, #tpu.memory_space<semaphore_mem>>
        %dma_start3A_31 = tpu.memref_slice %arg4[%add3A_26] : memref<323584xi32, #tpu.memory_space<hbm>> -> memref<128xi32, #tpu.memory_space<hbm>>
        %dma_start3A_32 = tpu.memref_slice %arg4[%add3A_26] : memref<323584xi32, #tpu.memory_space<hbm>> -> memref<128xi32, #tpu.memory_space<hbm>>
        tpu.enqueue_dma source(%dma_start3A_32 : memref<128xi32, #tpu.memory_space<hbm>>) target(%arg7 : memref<128xi32, #tpu.memory_space<vmem>>) target_semaphore(%run_scoped3A : memref<!tpu.dma_semaphore, #tpu.memory_space<semaphore_mem>>)
        %dma_wait3A_33 = tpu.memref_slice %arg4[%add3A_26] : memref<323584xi32, #tpu.memory_space<hbm>> -> memref<128xi32, #tpu.memory_space<hbm>>
        %dma_wait3A_34 = tpu.memref_slice %arg4[%add3A_26] : memref<323584xi32, #tpu.memory_space<hbm>> -> memref<128xi32, #tpu.memory_space<hbm>>
        tpu.wait_dma2 semaphore(%run_scoped3A : memref<!tpu.dma_semaphore, #tpu.memory_space<semaphore_mem>>) src(%dma_wait3A_34 : memref<128xi32, #tpu.memory_space<hbm>>) dst(%arg7 : memref<128xi32, #tpu.memory_space<vmem>>)
        tpu.yield
      }) : () -> ()
      "tpu.region"() ({
        %run_scoped3A = tpu.sem_alloc : memref<!tpu.dma_semaphore, #tpu.memory_space<semaphore_mem>>
        %dma_start3A_31 = arith.constant 0 : i32
        %dma_start3A_32 = arith.constant 0 : i32
        %dma_start3A_33 = tpu.memref_slice %arg9[%dma_start3A_31, %dma_start3A_32] : memref<10240x128xf32, #tpu.memory_space<vmem_shared>> -> memref<10240x128xf32, #tpu.memory_space<vmem_shared>>
        tpu.enqueue_indirect_dma source(%arg8 : memref<128x128xf32, #tpu.memory_space<vmem>>) target(%dma_start3A_33 : memref<10240x128xf32, #tpu.memory_space<vmem_shared>>) offsets(%arg7 : memref<128xi32, #tpu.memory_space<vmem>>) semaphore(%run_scoped3A : memref<!tpu.dma_semaphore, #tpu.memory_space<semaphore_mem>>) {add = true}
        %dma_wait3A_34 = arith.constant 0 : i32
        %dma_wait3A_35 = arith.constant 0 : i32
        %dma_wait3A_36 = tpu.memref_slice %arg9[%dma_wait3A_34, %dma_wait3A_35] : memref<10240x128xf32, #tpu.memory_space<vmem_shared>> -> memref<10240x128xf32, #tpu.memory_space<vmem_shared>>
        tpu.wait_indirect_dma semaphore(%run_scoped3A : memref<!tpu.dma_semaphore, #tpu.memory_space<semaphore_mem>>) src(%arg8 : memref<128x128xf32, #tpu.memory_space<vmem>>) dst(%dma_wait3A_36 : memref<10240x128xf32, #tpu.memory_space<vmem_shared>>)
        tpu.yield
      }) : () -> ()
    }
    %scan3A_21 = arith.constant 79 : i32
    %barrier3A_22 = arith.constant 0 : index
    tpu.barrier barrier_id(%barrier3A_22)
    "tpu.region"() ({
      %run_scoped3A = tpu.sem_alloc : memref<!tpu.dma_semaphore, #tpu.memory_space<semaphore_mem>>
      %dma_start3A = arith.constant 0 : i32
      %dma_start3A_23 = tpu.memref_slice %arg5[%arg0, %mul3A_7, %dma_start3A] : memref<2x10240x128xf32, #tpu.memory_space<hbm>> -> memref<1x640x128xf32, #tpu.memory_space<hbm>>
      %dma_start3A_24 = tpu.memref_squeeze %dma_start3A_23 : memref<1x640x128xf32, #tpu.memory_space<hbm>> -> memref<640x128xf32, #tpu.memory_space<hbm>>
      %dma_start3A_25 = arith.constant 0 : i32
      %dma_start3A_26 = tpu.memref_slice %arg9[%mul3A_7, %dma_start3A_25] : memref<10240x128xf32, #tpu.memory_space<vmem_shared>> -> memref<640x128xf32, #tpu.memory_space<vmem_shared>>
      tpu.enqueue_dma source(%dma_start3A_26 : memref<640x128xf32, #tpu.memory_space<vmem_shared>>) target(%dma_start3A_24 : memref<640x128xf32, #tpu.memory_space<hbm>>) target_semaphore(%run_scoped3A : memref<!tpu.dma_semaphore, #tpu.memory_space<semaphore_mem>>)
      %dma_wait3A = arith.constant 0 : i32
      %dma_wait3A_27 = tpu.memref_slice %arg5[%arg0, %mul3A_7, %dma_wait3A] : memref<2x10240x128xf32, #tpu.memory_space<hbm>> -> memref<1x640x128xf32, #tpu.memory_space<hbm>>
      %dma_wait3A_28 = tpu.memref_squeeze %dma_wait3A_27 : memref<1x640x128xf32, #tpu.memory_space<hbm>> -> memref<640x128xf32, #tpu.memory_space<hbm>>
      %dma_wait3A_29 = arith.constant 0 : i32
      %dma_wait3A_30 = tpu.memref_slice %arg9[%mul3A_7, %dma_wait3A_29] : memref<10240x128xf32, #tpu.memory_space<vmem_shared>> -> memref<640x128xf32, #tpu.memory_space<vmem_shared>>
      tpu.wait_dma2 semaphore(%run_scoped3A : memref<!tpu.dma_semaphore, #tpu.memory_space<semaphore_mem>>) src(%dma_wait3A_30 : memref<640x128xf32, #tpu.memory_space<vmem_shared>>) dst(%dma_wait3A_28 : memref<640x128xf32, #tpu.memory_space<hbm>>)
      tpu.yield
    }) : () -> ()
    return
  }
}

module attributes {stable_mosaic.version = 14 : i64} {
  func.func @body(%arg0: i32, %arg1: memref<2x512x128xf32, #tpu.memory_space<vmem>>, %arg2: memref<512x128xf32, #tpu.memory_space<vmem>>, %arg3: memref<512x128xf32, #tpu.memory_space<vmem>>) attributes {dimension_semantics = [#tpu.dimension_semantics<arbitrary>], iteration_bounds = array<i64: 20>, scalar_prefetch = 0 : i64, scratch_operands = 0 : i64, tpu.core_type = #tpu.core_type<tc>, window_params = [{transform_indices = @transform_0, window_bounds = array<i64: 2, 512, 128>}, {transform_indices = @transform_1, window_bounds = array<i64: 512, 128>}, {transform_indices = @transform_2, window_bounds = array<i64: 512, 128>}]} {
    %get3A = arith.constant 0 : index
    %get3A_0 = arith.constant 0 : index
    %get3A_1 = vector.load %arg2[%get3A, %get3A_0] : memref<512x128xf32, #tpu.memory_space<vmem>>, vector<512x128xf32>
    %get3A_2 = arith.constant 0 : index
    %get3A_3 = arith.constant 0 : index
    %get3A_4 = arith.constant 0 : index
    %get3A_5 = vector.load %arg1[%get3A_2, %get3A_3, %get3A_4] : memref<2x512x128xf32, #tpu.memory_space<vmem>>, vector<1x512x1xf32>
    %get3A_6 = vector.shape_cast %get3A_5 : vector<1x512x1xf32> to vector<512x1xf32>
    %get3A_7 = arith.constant 1 : index
    %get3A_8 = arith.constant 0 : index
    %get3A_9 = arith.constant 0 : index
    %get3A_10 = vector.load %arg1[%get3A_7, %get3A_8, %get3A_9] : memref<2x512x128xf32, #tpu.memory_space<vmem>>, vector<1x512x1xf32>
    %get3A_11 = vector.shape_cast %get3A_10 : vector<1x512x1xf32> to vector<512x1xf32>
    %add3A = arith.addf %get3A_6, %get3A_11 : vector<512x1xf32>
    %add3A_12 = arith.constant 1.000000e+00 : f32
    %add3A_13 = vector.broadcast %add3A_12 : f32 to vector<512x1xf32>
    %add3A_14 = arith.addf %add3A, %add3A_13 : vector<512x1xf32>
    %rsqrt3A = math.rsqrt %add3A_14 : vector<512x1xf32>
    %mul3A = vector.broadcast %rsqrt3A : vector<512x1xf32> to vector<512x128xf32>
    %mul3A_15 = arith.mulf %get3A_1, %mul3A : vector<512x128xf32>
    %swap3A = arith.constant 0 : index
    %swap3A_16 = arith.constant 0 : index
    %swap3A_17 = vector.load %arg3[%swap3A, %swap3A_16] : memref<512x128xf32, #tpu.memory_space<vmem>>, vector<512x128xf32>
    tpu.vector_store %arg3[%swap3A, %swap3A_16], %mul3A_15 {strides = array<i32>} : memref<512x128xf32, #tpu.memory_space<vmem>>, vector<512x128xf32>,
    return
  }
  func.func @transform_0(%arg0: i32) -> (i32, i32, i32) {
    %c0_i32 = arith.constant 0 : i32
    %c0_i32_0 = arith.constant 0 : i32
    %c0_i32_1 = arith.constant 0 : i32
    return %c0_i32, %arg0, %c0_i32_0 : i32, i32, i32
  }
  func.func @transform_1(%arg0: i32) -> (i32, i32) {
    %c0_i32 = arith.constant 0 : i32
    %c0_i32_0 = arith.constant 0 : i32
    return %arg0, %c0_i32 : i32, i32
  }
  func.func @transform_2(%arg0: i32) -> (i32, i32) {
    %c0_i32 = arith.constant 0 : i32
    %c0_i32_0 = arith.constant 0 : i32
    return %arg0, %c0_i32 : i32, i32
  }
}

module attributes {stable_mosaic.version = 14 : i64} {
  func.func @body(%arg0: i32, %arg1: memref<2x512x128xf32, #tpu.memory_space<vmem>>, %arg2: memref<2x512x128xf32, #tpu.memory_space<vmem>>, %arg3: memref<512x128xf32, #tpu.memory_space<vmem>>, %arg4: memref<128x512xf32, #tpu.memory_space<vmem>>, %arg5: memref<1x512xf32, #tpu.memory_space<vmem>>, %arg6: memref<512x128xf32, #tpu.memory_space<vmem>>, %arg7: memref<512x128xf32, #tpu.memory_space<vmem>>) attributes {dimension_semantics = [#tpu.dimension_semantics<arbitrary>], iteration_bounds = array<i64: 20>, scalar_prefetch = 0 : i64, scratch_operands = 0 : i64, tpu.core_type = #tpu.core_type<tc>, window_params = [{transform_indices = @transform_0, window_bounds = array<i64: 2, 512, 128>}, {transform_indices = @transform_1, window_bounds = array<i64: 2, 512, 128>}, {transform_indices = @transform_2, window_bounds = array<i64: 512, 128>}, {pipeline_mode = #tpu.pipeline_mode<synchronous>, transform_indices = @transform_3, window_bounds = array<i64: 128, 512>}, {pipeline_mode = #tpu.pipeline_mode<synchronous>, transform_indices = @transform_4, window_bounds = array<i64: 1, 512>}, {pipeline_mode = #tpu.pipeline_mode<synchronous>, transform_indices = @transform_5, window_bounds = array<i64: 512, 128>}, {transform_indices = @transform_6, window_bounds = array<i64: 512, 128>}]} {
    %get3A = arith.constant 0 : index
    %get3A_0 = arith.constant 0 : index
    %get3A_1 = arith.constant 0 : index
    %get3A_2 = vector.load %arg2[%get3A, %get3A_0, %get3A_1] : memref<2x512x128xf32, #tpu.memory_space<vmem>>, vector<1x512x1xf32>
    %get3A_3 = vector.shape_cast %get3A_2 : vector<1x512x1xf32> to vector<512x1xf32>
    %get3A_4 = arith.constant 1 : index
    %get3A_5 = arith.constant 0 : index
    %get3A_6 = arith.constant 0 : index
    %get3A_7 = vector.load %arg2[%get3A_4, %get3A_5, %get3A_6] : memref<2x512x128xf32, #tpu.memory_space<vmem>>, vector<1x512x1xf32>
    %get3A_8 = vector.shape_cast %get3A_7 : vector<1x512x1xf32> to vector<512x1xf32>
    %add3A = arith.addf %get3A_3, %get3A_8 : vector<512x1xf32>
    %add3A_9 = arith.constant 1.000000e+00 : f32
    %add3A_10 = vector.broadcast %add3A_9 : f32 to vector<512x1xf32>
    %add3A_11 = arith.addf %add3A, %add3A_10 : vector<512x1xf32>
    %rsqrt3A = math.rsqrt %add3A_11 : vector<512x1xf32>
    %get3A_12 = arith.constant 0 : index
    %get3A_13 = arith.constant 0 : index
    %get3A_14 = arith.constant 0 : index
    %get3A_15 = vector.load %arg1[%get3A_12, %get3A_13, %get3A_14] : memref<2x512x128xf32, #tpu.memory_space<vmem>>, vector<1x512x128xf32>
    %get3A_16 = vector.shape_cast %get3A_15 : vector<1x512x128xf32> to vector<512x128xf32>
    %get3A_17 = arith.constant 1 : index
    %get3A_18 = arith.constant 0 : index
    %get3A_19 = arith.constant 0 : index
    %get3A_20 = vector.load %arg1[%get3A_17, %get3A_18, %get3A_19] : memref<2x512x128xf32, #tpu.memory_space<vmem>>, vector<1x512x128xf32>
    %get3A_21 = vector.shape_cast %get3A_20 : vector<1x512x128xf32> to vector<512x128xf32>
    %add3A_22 = arith.addf %get3A_16, %get3A_21 : vector<512x128xf32>
    %get3A_23 = arith.constant 0 : index
    %get3A_24 = arith.constant 0 : index
    %get3A_25 = vector.load %arg3[%get3A_23, %get3A_24] : memref<512x128xf32, #tpu.memory_space<vmem>>, vector<512x128xf32>
    %add3A_26 = arith.addf %add3A_22, %get3A_25 : vector<512x128xf32>
    %mul3A = vector.broadcast %rsqrt3A : vector<512x1xf32> to vector<512x128xf32>
    %mul3A_27 = arith.mulf %add3A_26, %mul3A : vector<512x128xf32>
    %get3A_28 = arith.constant 0 : index
    %get3A_29 = arith.constant 0 : index
    %get3A_30 = vector.load %arg4[%get3A_28, %get3A_29] : memref<128x512xf32, #tpu.memory_space<vmem>>, vector<128x512xf32>
    %dot_general3A = arith.constant dense<0.000000e+00> : vector<512x512xf32>
    %dot_general3A_31 = tpu.matmul %mul3A_27, %get3A_30, %dot_general3A {dimension_numbers = #tpu.dot_dimension_numbers<[1], [0], [0], [1], [0, 0, 1, 1], [], []>, transpose_lhs_hint = false} : vector<512x128xf32>, vector<128x512xf32>, vector<512x512xf32> -> vector<512x512xf32>
    %get3A_32 = arith.constant 0 : index
    %get3A_33 = arith.constant 0 : index
    %get3A_34 = vector.load %arg5[%get3A_32, %get3A_33] : memref<1x512xf32, #tpu.memory_space<vmem>>, vector<1x512xf32>
    %add3A_35 = vector.broadcast %get3A_34 : vector<1x512xf32> to vector<512x512xf32>
    %add3A_36 = arith.addf %dot_general3A_31, %add3A_35 : vector<512x512xf32>
    %max3A = arith.constant 0.000000e+00 : f32
    %max3A_37 = vector.broadcast %max3A : f32 to vector<512x512xf32>
    %max3A_38 = arith.maximumf %add3A_36, %max3A_37 : vector<512x512xf32>
    %get3A_39 = arith.constant 0 : index
    %get3A_40 = arith.constant 0 : index
    %get3A_41 = vector.load %arg6[%get3A_39, %get3A_40] : memref<512x128xf32, #tpu.memory_space<vmem>>, vector<512x128xf32>
    %dot_general3A_42 = arith.constant dense<0.000000e+00> : vector<512x128xf32>
    %dot_general3A_43 = tpu.matmul %max3A_38, %get3A_41, %dot_general3A_42 {dimension_numbers = #tpu.dot_dimension_numbers<[1], [0], [0], [1], [0, 0, 1, 1], [], []>, transpose_lhs_hint = false} : vector<512x512xf32>, vector<512x128xf32>, vector<512x128xf32> -> vector<512x128xf32>
    %mul3A_44 = vector.broadcast %rsqrt3A : vector<512x1xf32> to vector<512x128xf32>
    %mul3A_45 = arith.mulf %dot_general3A_43, %mul3A_44 : vector<512x128xf32>
    %swap3A = arith.constant 0 : index
    %swap3A_46 = arith.constant 0 : index
    %swap3A_47 = vector.load %arg7[%swap3A, %swap3A_46] : memref<512x128xf32, #tpu.memory_space<vmem>>, vector<512x128xf32>
    tpu.vector_store %arg7[%swap3A, %swap3A_46], %mul3A_45 {strides = array<i32>} : memref<512x128xf32, #tpu.memory_space<vmem>>, vector<512x128xf32>,
    return
  }
  func.func @transform_0(%arg0: i32) -> (i32, i32, i32) {
    %c0_i32 = arith.constant 0 : i32
    %c0_i32_0 = arith.constant 0 : i32
    %c0_i32_1 = arith.constant 0 : i32
    return %c0_i32, %arg0, %c0_i32_0 : i32, i32, i32
  }
  func.func @transform_1(%arg0: i32) -> (i32, i32, i32) {
    %c0_i32 = arith.constant 0 : i32
    %c0_i32_0 = arith.constant 0 : i32
    %c0_i32_1 = arith.constant 0 : i32
    return %c0_i32, %arg0, %c0_i32_0 : i32, i32, i32
  }
  func.func @transform_2(%arg0: i32) -> (i32, i32) {
    %c0_i32 = arith.constant 0 : i32
    %c0_i32_0 = arith.constant 0 : i32
    return %arg0, %c0_i32 : i32, i32
  }
  func.func @transform_3(%arg0: i32) -> (i32, i32) {
    %c0_i32 = arith.constant 0 : i32
    %c0_i32_0 = arith.constant 0 : i32
    %c0_i32_1 = arith.constant 0 : i32
    return %c0_i32, %c0_i32_0 : i32, i32
  }
  func.func @transform_4(%arg0: i32) -> (i32, i32) {
    %c0_i32 = arith.constant 0 : i32
    %c0_i32_0 = arith.constant 0 : i32
    %c0_i32_1 = arith.constant 0 : i32
    return %c0_i32, %c0_i32_0 : i32, i32
  }
  func.func @transform_5(%arg0: i32) -> (i32, i32) {
    %c0_i32 = arith.constant 0 : i32
    %c0_i32_0 = arith.constant 0 : i32
    %c0_i32_1 = arith.constant 0 : i32
    return %c0_i32, %c0_i32_0 : i32, i32
  }
  func.func @transform_6(%arg0: i32) -> (i32, i32) {
    %c0_i32 = arith.constant 0 : i32
    %c0_i32_0 = arith.constant 0 : i32
    return %arg0, %c0_i32 : i32, i32
  }
}

module attributes {stable_mosaic.version = 14 : i64} {
  func.func @body(%arg0: i32, %arg1: memref<2x512x128xf32, #tpu.memory_space<vmem>>, %arg2: memref<2x512x128xf32, #tpu.memory_space<vmem>>, %arg3: memref<512x128xf32, #tpu.memory_space<vmem>>, %arg4: memref<1x128xf32, #tpu.memory_space<vmem>>, %arg5: memref<512x128xf32, #tpu.memory_space<vmem>>) attributes {dimension_semantics = [#tpu.dimension_semantics<arbitrary>], iteration_bounds = array<i64: 20>, scalar_prefetch = 0 : i64, scratch_operands = 0 : i64, tpu.core_type = #tpu.core_type<tc>, window_params = [{transform_indices = @transform_0, window_bounds = array<i64: 2, 512, 128>}, {transform_indices = @transform_1, window_bounds = array<i64: 2, 512, 128>}, {transform_indices = @transform_2, window_bounds = array<i64: 512, 128>}, {pipeline_mode = #tpu.pipeline_mode<synchronous>, transform_indices = @transform_3, window_bounds = array<i64: 1, 128>}, {transform_indices = @transform_4, window_bounds = array<i64: 512, 128>}]} {
    %get3A = arith.constant 0 : index
    %get3A_0 = arith.constant 0 : index
    %get3A_1 = arith.constant 0 : index
    %get3A_2 = vector.load %arg2[%get3A, %get3A_0, %get3A_1] : memref<2x512x128xf32, #tpu.memory_space<vmem>>, vector<1x512x1xf32>
    %get3A_3 = vector.shape_cast %get3A_2 : vector<1x512x1xf32> to vector<512x1xf32>
    %get3A_4 = arith.constant 1 : index
    %get3A_5 = arith.constant 0 : index
    %get3A_6 = arith.constant 0 : index
    %get3A_7 = vector.load %arg2[%get3A_4, %get3A_5, %get3A_6] : memref<2x512x128xf32, #tpu.memory_space<vmem>>, vector<1x512x1xf32>
    %get3A_8 = vector.shape_cast %get3A_7 : vector<1x512x1xf32> to vector<512x1xf32>
    %add3A = arith.addf %get3A_3, %get3A_8 : vector<512x1xf32>
    %add3A_9 = arith.constant 1.000000e+00 : f32
    %add3A_10 = vector.broadcast %add3A_9 : f32 to vector<512x1xf32>
    %add3A_11 = arith.addf %add3A, %add3A_10 : vector<512x1xf32>
    %rsqrt3A = math.rsqrt %add3A_11 : vector<512x1xf32>
    %get3A_12 = arith.constant 0 : index
    %get3A_13 = arith.constant 0 : index
    %get3A_14 = arith.constant 0 : index
    %get3A_15 = vector.load %arg1[%get3A_12, %get3A_13, %get3A_14] : memref<2x512x128xf32, #tpu.memory_space<vmem>>, vector<1x512x128xf32>
    %get3A_16 = vector.shape_cast %get3A_15 : vector<1x512x128xf32> to vector<512x128xf32>
    %get3A_17 = arith.constant 1 : index
    %get3A_18 = arith.constant 0 : index
    %get3A_19 = arith.constant 0 : index
    %get3A_20 = vector.load %arg1[%get3A_17, %get3A_18, %get3A_19] : memref<2x512x128xf32, #tpu.memory_space<vmem>>, vector<1x512x128xf32>
    %get3A_21 = vector.shape_cast %get3A_20 : vector<1x512x128xf32> to vector<512x128xf32>
    %add3A_22 = arith.addf %get3A_16, %get3A_21 : vector<512x128xf32>
    %get3A_23 = arith.constant 0 : index
    %get3A_24 = arith.constant 0 : index
    %get3A_25 = vector.load %arg3[%get3A_23, %get3A_24] : memref<512x128xf32, #tpu.memory_space<vmem>>, vector<512x128xf32>
    %add3A_26 = arith.addf %add3A_22, %get3A_25 : vector<512x128xf32>
    %mul3A = vector.broadcast %rsqrt3A : vector<512x1xf32> to vector<512x128xf32>
    %mul3A_27 = arith.mulf %add3A_26, %mul3A : vector<512x128xf32>
    %get3A_28 = arith.constant 0 : index
    %get3A_29 = arith.constant 0 : index
    %get3A_30 = vector.load %arg4[%get3A_28, %get3A_29] : memref<1x128xf32, #tpu.memory_space<vmem>>, vector<1x128xf32>
    %add3A_31 = vector.broadcast %get3A_30 : vector<1x128xf32> to vector<512x128xf32>
    %add3A_32 = arith.addf %mul3A_27, %add3A_31 : vector<512x128xf32>
    %max3A = arith.constant 0.000000e+00 : f32
    %max3A_33 = vector.broadcast %max3A : f32 to vector<512x128xf32>
    %max3A_34 = arith.maximumf %add3A_32, %max3A_33 : vector<512x128xf32>
    %swap3A = arith.constant 0 : index
    %swap3A_35 = arith.constant 0 : index
    %swap3A_36 = vector.load %arg5[%swap3A, %swap3A_35] : memref<512x128xf32, #tpu.memory_space<vmem>>, vector<512x128xf32>
    tpu.vector_store %arg5[%swap3A, %swap3A_35], %max3A_34 {strides = array<i32>} : memref<512x128xf32, #tpu.memory_space<vmem>>, vector<512x128xf32>,
    return
  }
  func.func @transform_0(%arg0: i32) -> (i32, i32, i32) {
    %c0_i32 = arith.constant 0 : i32
    %c0_i32_0 = arith.constant 0 : i32
    %c0_i32_1 = arith.constant 0 : i32
    return %c0_i32, %arg0, %c0_i32_0 : i32, i32, i32
  }
  func.func @transform_1(%arg0: i32) -> (i32, i32, i32) {
    %c0_i32 = arith.constant 0 : i32
    %c0_i32_0 = arith.constant 0 : i32
    %c0_i32_1 = arith.constant 0 : i32
    return %c0_i32, %arg0, %c0_i32_0 : i32, i32, i32
  }
  func.func @transform_2(%arg0: i32) -> (i32, i32) {
    %c0_i32 = arith.constant 0 : i32
    %c0_i32_0 = arith.constant 0 : i32
    return %arg0, %c0_i32 : i32, i32
  }
  func.func @transform_3(%arg0: i32) -> (i32, i32) {
    %c0_i32 = arith.constant 0 : i32
    %c0_i32_0 = arith.constant 0 : i32
    %c0_i32_1 = arith.constant 0 : i32
    return %c0_i32, %c0_i32_0 : i32, i32
  }
  func.func @transform_4(%arg0: i32) -> (i32, i32) {
    %c0_i32 = arith.constant 0 : i32
    %c0_i32_0 = arith.constant 0 : i32
    return %arg0, %c0_i32 : i32, i32
  }
}

</mosaic_0001>

<sc_bundles>
// kernel: kernel.11.cloned.1.call-start
scs
__scs_entry_jumppad:
0x0: {  	(pc) =	sbr.rel $0x88, $3  }
0x1: {  	(tag) =	ssettag $0x0;
	lr =	simm.s32 $0x1  }
0x2: {  	[smem:$0x3F9B] =	sst lr;
	_ =	strace $0xD0000000  }
0x3: {  	_ = 	snop  }
0x4: {  	_ = 	snop  }
0x5: {  	_ = 	snop  }
0x6: {  	_ = 	snop  }
0x7: {  	_ = 	snop  }
__scs_overlays_trampoline_lowered:
0x8: {  	[smem:$0x3FAA] =	sst s0  }
0x9: {  	[smem:$0x3FAB] =	sst s1  }
0xa: {  	[smem:$0x3FAC] =	sst s2  }
0xb: {  	[smem:$0x3FAD] =	sst s3  }
0xc: {  	[smem:$0x3FAE] =	sst s4  }
0xd: {  	[smem:$0x3FAF] =	sst s5  }
0xe: {  	[smem:$0x3FB0] =	sst s6  }
0xf: {  	[smem:$0x3FB1] =	sst s7  }
0x10: {  	[smem:$0x3FB2] =	sst s8  }
0x11: {  	[smem:$0x3FB3] =	sst s9;
	s0 =	simm.s32 @!p0 $0x0  }
0x12: {  	s1 =	sld [smem:$0x3F99];
	s0 =	simm.s32 @p0 $0x1  }
0x13: {  	[smem:$0x3FB4] =	sst s0;
	s0 =	simm.s32 @!p1 $0x0  }
0x14: {  	s2 =	sld [smem:$0x3F98];
	s0 =	simm.s32 @p1 $0x1  }
0x15: {  	[smem:$0x3FB5] =	sst s0;
	s0 =	simm.s32 @!p2 $0x0  }
0x16: {  	s3 =	sld [smem:$0x3FDB];
	s0 =	simm.s32 @p2 $0x1  }
0x17: {  	s4 =	simm.s32 $0x1BF5;
	[smem:$0x3FB7] =	sst s0  }
0x18: {  	s0 =	sld [smem:$0x3F9A];
	_ =	swait.ge [sflag:s4], $0x0  }
0x19: {  	s7 =	sld [smem:$0x3F9B]  }
0x1a: {  	s8 =	sadd.s32 $0xFFFFE003, lr  }
0x1b: {  	s9 =	sadd.s32 $0xFFFFFEF7, lr;
	s5 =	simm.s32 $0xFFFFFFFF;
	p2 =	slt.u32 s8, $0xFFFFF086  }
0x1c: {  	p1 =	slt.u32 s9, $0xF7A;
	s5 =	simm.s32 @!p2 $0x0  }
0x1d: {  	s5 =	simm.s32 @p1 $0x1;
	p0 =	seq.s32 s7, s2  }
0x1e: {  	s7 =	smul.u32 @!p0 $0xF7A, s2;
	p2 =	seq.s32 @!p0 s5, $0x0  }
0x1f: {  	s9 =	smul.u32 $0xF7A, s1;
	s8 =	simm.s32 @!p0 $0x1BF5;
	p2 =	por !p2, p0  }
0x20: {  	[sflag:s8] =	ssyncset.s32 @!p0 $0xFFFFF086;
	s6 =	sadd.s32 @!p0 s3, s7;
	s7 =	simm.s32 @!p0 $0x108  }
0x21: {  	s3 =	sadd.s32 s3, s9;
	s6 =	sadd.s32 @!p0 $0x88, s6;
	s7 =	simm.s32 @p2 $0x1082  }
0x22: {  	[simem:s7], [sflag:s8] =	dma.local @!p0 [hbm:s6], $0xF7A  }
0x23: {  	s9 =	sor.u32 $0xD0000000, s2;
	s6 =	simm.s32 $0x108;
	_ =	swait.ge @!p0 [sflag:s8], $0x0  }
0x24: {  	s3 =	sadd.s32 $0x88, s3;
	s6 =	simm.s32 @!p1 $0x1082;
	[sflag:s4] =	ssyncset.s32 $0xFFFFF086  }
0x25: {  	[simem:s6], [sflag:s4] =	dma.local [hbm:s3], $0xF7A  }
0x26: {  	[smem:$0x3F9B] =	sst s1;
	(tag) =	ssettag s2;
	_ =	strace s9  }
0x27: {  	s1 =	sld [smem:$0x3FAB]  }
0x28: {  	s2 =	sld [smem:$0x3FAC]  }
0x29: {  	s4 =	sld [smem:$0x3FAE]  }
0x2a: {  	p0 =	seq.s32 s5, $0x0;
	s5 =	sld [smem:$0x3FAF]  }
0x2b: {  	s6 =	sld [smem:$0x3FB0]  }
0x2c: {  	s7 =	sld [smem:$0x3FB1]  }
0x2d: {  	s3 =	simm.s32 $0x108;
	s8 =	sld [smem:$0x3FB2]  }
0x2e: {  	s3 =	simm.s32 @!p0 $0x1082;
	s9 =	sld [smem:$0x3FB3]  }
0x2f: {  	lr =	sadd.s32 s0, s3;
	s0 =	sld [smem:$0x3FAA]  }
0x30: {  	s3 =	sld [smem:$0x3FAD]  }
0x31: {  	[smem:$0x3FB6] =	sst s10  }
0x32: {  	s10 =	sld [smem:$0x3FB4];
	_ =	sdelay $0x3  }
0x33: {  	p0 =	seq.s32 s10, $0x1;
	s10 =	sld [smem:$0x3FB6];
	_ =	sdelay $0x3  }
0x34: {  	[smem:$0x3FB6] =	sst s10  }
0x35: {  	s10 =	sld [smem:$0x3FB5];
	_ =	sdelay $0x3  }
0x36: {  	p1 =	seq.s32 s10, $0x1;
	s10 =	sld [smem:$0x3FB6];
	_ =	sdelay $0x3  }
0x37: {  	[smem:$0x3FB6] =	sst s10  }
0x38: {  	s10 =	sld [smem:$0x3FB7]  }
0x39: {  	_ = 	snop;
	(pc) =	sbr.ind lr, $3  }
0x3a: {  	_ = 	snop  }
0x3b: {  	_ = 	snop  }
0x3c: {  	p2 =	seq.s32 s10, $0x1;
	s10 =	sld [smem:$0x3FB6]  }
0x3d: {  	_ =	shalt  }
0x3e: {  	_ =	shalt  }
0x3f: {  	_ =	shalt  }
0x40: {  	_ =	shalt  }
0x41: {  	_ =	shalt  }
0x42: {  	_ =	shalt  }
0x43: {  	_ =	shalt  }
0x44: {  	_ =	shalt  }
0x45: {  	_ =	shalt  }
0x46: {  	_ =	shalt  }
0x47: {  	_ =	shalt  }
0x48: {  	_ =	shalt  }
0x49: {  	_ =	shalt  }
0x4a: {  	_ =	shalt  }
0x4b: {  	_ =	shalt  }
0x4c: {  	_ =	shalt  }
0x4d: {  	_ =	shalt  }
0x4e: {  	_ =	shalt  }
0x4f: {  	_ =	shalt  }
0x50: {  	_ =	shalt  }
0x51: {  	_ =	shalt  }
0x52: {  	_ =	shalt  }
0x53: {  	_ =	shalt  }
0x54: {  	_ =	shalt  }
0x55: {  	_ =	shalt  }
0x56: {  	_ =	shalt  }
0x57: {  	_ =	shalt  }
0x58: {  	_ =	shalt  }
0x59: {  	_ =	shalt  }
0x5a: {  	_ =	shalt  }
0x5b: {  	_ =	shalt  }
0x5c: {  	_ =	shalt  }
0x5d: {  	_ =	shalt  }
0x5e: {  	_ =	shalt  }
0x5f: {  	_ =	shalt  }
0x60: {  	_ =	shalt  }
0x61: {  	_ =	shalt  }
0x62: {  	_ =	shalt  }
0x63: {  	_ =	shalt  }
0x64: {  	_ =	shalt  }
0x65: {  	_ =	shalt  }
0x66: {  	_ =	shalt  }
0x67: {  	_ =	shalt  }
0x68: {  	_ =	shalt  }
0x69: {  	_ =	shalt  }
0x6a: {  	_ =	shalt  }
0x6b: {  	_ =	shalt  }
0x6c: {  	_ =	shalt  }
0x6d: {  	_ =	shalt  }
0x6e: {  	_ =	shalt  }
0x6f: {  	_ =	shalt  }
0x70: {  	_ =	shalt  }
0x71: {  	_ =	shalt  }
0x72: {  	_ =	shalt  }
0x73: {  	_ =	shalt  }
0x74: {  	_ =	shalt  }
0x75: {  	_ =	shalt  }
0x76: {  	_ =	shalt  }
0x77: {  	_ =	shalt  }
0x78: {  	_ =	shalt  }
0x79: {  	_ =	shalt  }
0x7a: {  	_ =	shalt  }
0x7b: {  	_ =	shalt  }
0x7c: {  	_ =	shalt  }
0x7d: {  	_ =	shalt  }
0x7e: {  	_ =	shalt  }
0x7f: {  	_ =	shalt  }
0x80: {  	_ =	shalt  }
0x81: {  	_ =	shalt  }
0x82: {  	_ =	shalt  }
0x83: {  	_ =	shalt  }
0x84: {  	_ =	shalt  }
0x85: {  	_ =	shalt  }
0x86: {  	_ =	shalt  }
0x87: {  	_ =	shalt  }
.Lfunc_end0:
.L_simem_size_0:
called_computation.1_lowered:
.L_overlay_start_0:
0x88: {  	s2 =	sld [smem:$0x3FD9]  }
0x89: {  	s3 =	sld [smem:$0x3FFE];
	_ =	sdelay $0x1  }
0x8a: {  	s1 =	srdreg.scid  }
0x8b: {  	s0 =	sand.u32 $0x1, s1  }
0x8c: {  	s17 =	sshll.u32 s0, $0xA;
	s2 =	sadd.s32 s3, s2  }
0x8d: {  	s2 =	sadd.s32 s2, s17  }
0x8e: {  	[smem:$0x3FC2] =	sst s2  }
0x8f: {  	_ = 	snop  }
0x90: {  	s2 =	sld [smem:$0x3FD0];
	(tm) =	ssettm $0x1  }
0x91: {  	s18 =	sld [smem:$0x3FFB];
	_ =	sdelay $0x3  }
0x92: {  	_ =	strace s18  }
0x93: {  	s3 =	sld [smem:$0x3FFC];
	_ =	sdelay $0x3  }
0x94: {  	_ =	strace s3  }
0x95: {  	s3 =	sld [smem:$0x3FFD];
	_ =	sdelay $0x3  }
0x96: {  	_ =	strace s3  }
0x97: {  	_ =	strace $0x8FFFFFFF  }
0x98: {  	s19 =	sld [smem:$0x3FDB];
	_ =	sdelay $0x1  }
0x99: {  	s4 =	simm.s32 $_scs_section_size  }
0x9a: {  	s5 =	simm.s32 $_size__tile_overlayer_lowered;
	s6 =	simm.s32 $_tile_overlayer_lowered  }
0x9b: {  	s22 =	simm.s32 $0x1BFF;
	s21 =	sshll.u32 s6, $0x1;
	s3 =	sadd.s32 s4, s19  }
0x9c: {  	s7 =	simm.s32 $0x0;
	s20 =	sshll.u32 s5, $0x1;
	s5 =	sadd.s32 s21, s3  }
0x9d: {  	[timem:s7], [sflag:s22] =	dma.local [hbm:s5], s20  }
0x9e: {  	_ =	swait.ge [sflag:s22], s20  }
0x9f: {  	s4 =	ssub.s32 $0x0, s20;
	[sflag:s22] =	ssyncset.done $0x0  }
0xa0: {  	[sflag:s22] =	ssyncadd.s32 s4;
	_ =	sdelay $0x1  }
0xa1: {  	s23 =	simm.s32 $0x1B8B  }
0xa2: {  	_ =	swait.ge [sflag:s23], $0x1  }
0xa3: {  	[sflag:s23] =	ssyncset.done $0x0  }
0xa4: {  	s25 =	simm.s32 $0x1B8E;
	s24 =	sld [smem:$0x3FFE];
	[sflag:s23] =	ssyncadd.s32 $0xFFFFFFFF  }
0xa5: {  	s26 =	simm.s32 $execute0_lowered;
	[smem:$0x3FD2] =	sst s25  }
0xa6: {  	s5 =	sshll.u32 s26, $0x1;
	_ =	strace $0x80000049;
	[dreg:$0x1] =	wrdreg $0xFFFFFFFF  }
0xa7: {  	s28 =	simm.s32 $_size_execute0_lowered;
	s3 =	sadd.s32 s3, s5;
	[dreg:$0x0] =	wrdreg $0x0  }
0xa8: {  	s5 =	sshll.u32 s28, $0x1;
	[dreg:$0x2] =	wrdreg s3  }
0xa9: {  	[dreg:$0x3] =	wrdreg s5  }
0xaa: {  	[dreg:$0x4] =	wrdreg $0xC0  }
0xab: {  	_ =	task [dreg:s7], $0x5FFFF  }
0xac: {  	[dreg:$0x1] =	wrdreg $0xFFFFFFFF  }
0xad: {  	[dreg:$0x0] =	wrdreg $0x60  }
0xae: {  	[dreg:$0x2] =	wrdreg s24  }
0xaf: {  	[dreg:$0x3] =	wrdreg s2  }
0xb0: {  	[dreg:$0x4] =	wrdreg $0x41000  }
0xb1: {  	[dreg:$0x5] =	wrdreg $0x9  }
0xb2: {  	_ =	task.clear_ibuf [dreg:s7], $0x6FFFF;
	_ =	strace $0x90000049  }
0xb3: {  	s29 =	simm.s32 $0x9;
	_ =	strace $0x8000004B  }
0xb4: {  	_ =	swait.ge [sflag:s29], $0x1  }
0xb5: {  	[sflag:s29] =	ssyncadd.s32 $0xFFFFFFFF  }
0xb6: {  	_ =	strace $0x9000004B  }
0xb7: {  	_ =	sfence  }
0xb8: {  	s30 =	sld [smem:$0x0];
	_ =	sdelay $0x2  }
0xb9: {  	s31 =	sshll.u32 s1, $0xD;
	s1 =	sshrl.u32 s1, $0x2  }
0xba: {  	s3 =	sand.u32 $0x4000, s31;
	s1 =	sadd.s32 s1, s30  }
0xbb: {  	s0 =	sor.u32 s3, s0;
	s1 =	sshll.u32 s1, $0x11  }
0xbc: {  	s0 =	sor.u32 s1, s0  }
0xbd: {  	s0 =	sadd.s32 $0x8F2B, s0  }
0xbe: {  	[sflag:s0] =	ssyncadd.remote.s32 $0x1  }
0xbf: {  	_ =	sfence.sel $0xFFFF  }
0xc0: {  	[dreg:$0x0] =	wrdreg $0xFFFFFFFF;
	(pc) =	sbr.abs _section_cstart, $3  }
0xc1: {  	[dreg:$0x1] =	wrdreg $0xFFFFFFFF  }
0xc2: {  	_ =	task.clear_ibuf [dreg:s7], $0x2FFFF;
	_ =	strace $0x9FFFFFFF  }
0xc3: {  	(tm) =	ssettm $0x7FFFFFFF  }
tec
execute0_lowered:
.L_overlay_start_1:
0x0: {  	(tag) =	ssettag $0x1  }
0x1: {  	s5 =	rddreg [dreg:$0x0]  }
0x2: {  	s11 =	rddreg [dreg:$0x1]  }
0x3: {  	s1 =	rddreg [dreg:$0x2];
	s2 =	srdreg.scid  }
0x4: {  	s0 =	rddreg [dreg:$0x3];
	s3 =	simm.s32 $0x0;
	s6 =	sand.u32 $0x1, s2  }
0x5: {  	s15 =	simm.s32 $0x2;
	s2 =	stileid.u32;
	s7 =	smul.u32 $0x140000, s6  }
0x6: {  	s16 =	simm.s32 $0x80;
	s17 =	simm.s32 $0x1;
	s8 =	smul.u32 $0x14000, s2  }
0x7: {  	s20 =	simm.s32 $0x0;
	[smem:$0x7FF] =	sst s3;
	s12 =	smul.u32 $0x4F00, s6  }
0x8: {  	s4 =	sadd.s32 $0x5C000, s5;
	_ =	strace $0x8000004A;
	s30 =	smul.u32 $0x50000, s2  }
0x9: {  	s6 =	ssub.s32 $0x2, s6;
	s14 =	smul.u32 $0x4F0, s2;
	s18 =	sshll.u32 s2, $0x6  }
0xa: {  	s31 =	sshrl.u32 s6, $0x1;
	s18 =	sor.u32 $0x1C02, s18;
	s7 =	sadd.s32 s8, s7  }
0xb: {  	s13 =	sadd.s32 s12, s5;
	s8 =	sshrl.u32 s30, $0x2;
	s12 =	sadd.s32 s12, s11  }
0xc: {  	s9 =	ssub.s32 s6, s31;
	s7 =	sshrl.u32 s7, $0x3;
	s12 =	sadd.s32 s14, s12  }
0xd: {  	s13 =	sadd.s32 s14, s13;
	s14 =	simm.s32 $0x100;
	s7 =	sadd.s32 s7, s5  }
0xe: {  	s5 =	sadd.s32 s8, s1;
	s13 =	sadd.s32 $0x52200, s13;
	s6 =	sadd.s32 $0x84000, s7  }
0xf: {  	s7 =	smax.u32 s9, $0x1;
	s8 =	sadd.s32 $0x4000, s5;
	s9 =	sadd.s32 $0x8000, s5  }
0x10: {  	v0 =	vimm.f32 $0.0e+00;
	s10 =	sadd.s32 $0xC000, s5;
	s11 =	sadd.s32 $0x10000, s5;
	s19 =	sshrl.u32 s5, $0x3  }
.LBB2_1:
0x11: {  	s21 =	simm.s32 $0x0;
	s22 =	simm.s32 $0x200  }
.LBB2_2:
0x12: {  	p0 =	sne.s32 s22, $0xFE00;
	[tilespmem:s21+$0x170] =	vst v0  }
0x13: {  	[tilespmem:s21+$0x100] =	vst v0  }
0x14: {  	[tilespmem:s21+$0x110] =	vst v0  }
.Ltmp0:
0x15: {  	[tilespmem:s21+$0x120] =	vst v0;
	(pc) =	sbr.rel @p0 .LBB2_2-.Ltmp0, $4  }
0x16: {  	[tilespmem:s21+$0x130] =	vst v0  }
0x17: {  	[tilespmem:s21+$0x140] =	vst v0  }
0x18: {  	[tilespmem:s21+$0x150] =	vst v0  }
0x19: {  	[tilespmem:s21+$0x160] =	vst v0;
	s21 =	sshra.s32 s22, $0x2;
	s22 =	sadd.s32 $0x200, s22  }
0x1a: {  	[tilespmem:s21+$0x170] =	vst v0  }
0x1b: {  	[tilespmem:s21+$0x100] =	vst v0  }
0x1c: {  	[tilespmem:s21+$0x110] =	vst v0  }
0x1d: {  	[tilespmem:s21+$0x120] =	vst v0  }
0x1e: {  	[tilespmem:s21+$0x130] =	vst v0  }
0x1f: {  	[tilespmem:s21+$0x140] =	vst v0  }
0x20: {  	[tilespmem:s21+$0x150] =	vst v0  }
0x21: {  	[tilespmem:s21+$0x160] =	vst v0  }
0x22: {  	[spmem:s5] =	stream.linear.scatter [tilespmem:s14], [sflag:$0x2], $0x4000, $0x38;
	[tilespmem:$0x18100] =	vst v63  }
0x23: {  	_ =	swait.ge [sflag:s15], $0x4000  }
0x24: {  	[sflag:s15] =	ssyncset.done $0x0  }
0x25: {  	[sflag:s15] =	ssyncadd.s32 $0xFFFFC000  }
0x26: {  	[spmem:s8] =	stream.linear.scatter [tilespmem:s14], [sflag:$0x2], $0x4000, $0x38;
	[tilespmem:$0x18100] =	vst v63  }
0x27: {  	_ =	swait.ge [sflag:s15], $0x4000  }
0x28: {  	[sflag:s15] =	ssyncset.done $0x0  }
0x29: {  	[sflag:s15] =	ssyncadd.s32 $0xFFFFC000  }
0x2a: {  	[spmem:s9] =	stream.linear.scatter [tilespmem:s14], [sflag:$0x2], $0x4000, $0x38;
	[tilespmem:$0x18100] =	vst v63  }
0x2b: {  	_ =	swait.ge [sflag:s15], $0x4000  }
0x2c: {  	[sflag:s15] =	ssyncset.done $0x0  }
0x2d: {  	[sflag:s15] =	ssyncadd.s32 $0xFFFFC000  }
0x2e: {  	[spmem:s10] =	stream.linear.scatter [tilespmem:s14], [sflag:$0x2], $0x4000, $0x38;
	[tilespmem:$0x18100] =	vst v63  }
0x2f: {  	_ =	swait.ge [sflag:s15], $0x4000  }
0x30: {  	[sflag:s15] =	ssyncset.done $0x0  }
0x31: {  	[sflag:s15] =	ssyncadd.s32 $0xFFFFC000  }
0x32: {  	[spmem:s11] =	stream.linear.scatter [tilespmem:s14], [sflag:$0x2], $0x4000, $0x38;
	[tilespmem:$0x18100] =	vst v63  }
0x33: {  	_ =	swait.ge [sflag:s15], $0x4000  }
0x34: {  	[sflag:s15] =	ssyncset.done $0x0  }
0x35: {  	[sflag:s15] =	ssyncadd.s32 $0xFFFFC000  }
0x36: {  	s30 =	sadd.s32 $0x0, s13;
	[bflag:$0x0] =	sbarrier.arrive $0xFFFF  }
0x37: {  	[tilespmem:s3], [sflag:$0x2] =	stream.linear.gather [hbm4b:s30+s3], $0x80, $0x38;
	[tilespmem:$0x18100] =	vst v63  }
0x38: {  	_ =	swait.ge [sflag:s15], $0x80  }
0x39: {  	[sflag:s15] =	ssyncset.done $0x0  }
0x3a: {  	[sflag:s15] =	ssyncadd.s32 $0xFFFFFF80  }
0x3b: {  	[tilespmem:s14], [sflag:$0x1] =	stream.indirect.gather [hbm4b:s4+s16], $0x80, s3, s16, $0xb8;
	[tilespmem:$0x18100] =	vst v63  }
0x3c: {  	_ =	swait.ge [sflag:s17], $0x4000  }
0x3d: {  	[sflag:s17] =	ssyncset.done $0x0  }
0x3e: {  	s31 =	sadd.s32 $0x0, s12;
	[sflag:s17] =	ssyncadd.s32 $0xFFFFC000  }
0x3f: {  	[tilespmem:s16], [sflag:$0x2] =	stream.linear.gather [hbm4b:s31+s3], $0x80, $0x38;
	[tilespmem:$0x18100] =	vst v63  }
0x40: {  	_ =	swait.ge [sflag:s15], $0x80  }
0x41: {  	[sflag:s15] =	ssyncset.done $0x0  }
0x42: {  	[sflag:s15] =	ssyncadd.s32 $0xFFFFFF80  }
0x43: {  	[spmem:s1] =	stream.indirect.scatter.add.f32 [tilespmem:s14], [sflag:$0x2], $0x80, s16, s16, $0xb8;
	[tilespmem:$0x18100] =	vst v63  }
0x44: {  	_ =	swait.ge [sflag:s15], $0x4000  }
0x45: {  	s21 =	simm.s32 $0x10;
	s22 =	simm.s32 $0x20;
	[sflag:s15] =	ssyncset.done $0x0  }
.LBB2_4:
0x46: {  	s23 =	sadd.s32 s21, s13  }
0x47: {  	[sflag:s15] =	ssyncadd.s32 $0xFFFFC000;
	s24 =	smov.u32 s22;
	s25 =	sadd.s32 $0x10, s22  }
0x48: {  	[tilespmem:s3], [sflag:$0x2] =	stream.linear.gather [hbm4b:s23+s3], $0x80, $0x38;
	[tilespmem:$0x18100] =	vst v63  }
0x49: {  	p0 =	sne.s32 s22, $0x4E0;
	_ =	swait.ge [sflag:s15], $0x80  }
0x4a: {  	[sflag:s15] =	ssyncset.done $0x0  }
0x4b: {  	[sflag:s15] =	ssyncadd.s32 $0xFFFFFF80  }
0x4c: {  	[tilespmem:s14], [sflag:$0x1] =	stream.indirect.gather [hbm4b:s4+s16], $0x80, s3, s16, $0xb8;
	[tilespmem:$0x18100] =	vst v63  }
0x4d: {  	_ =	swait.ge [sflag:s17], $0x4000  }
0x4e: {  	[sflag:s17] =	ssyncset.done $0x0  }
0x4f: {  	s22 =	sadd.s32 s21, s12;
	s21 =	smov.u32 s24;
	[sflag:s17] =	ssyncadd.s32 $0xFFFFC000  }
0x50: {  	[tilespmem:s16], [sflag:$0x2] =	stream.linear.gather [hbm4b:s22+s3], $0x80, $0x38;
	[tilespmem:$0x18100] =	vst v63  }
0x51: {  	_ =	swait.ge [sflag:s15], $0x80  }
.Ltmp1:
0x52: {  	[sflag:s15] =	ssyncset.done $0x0;
	(pc) =	sbr.rel @p0 .LBB2_4-.Ltmp1, $4  }
0x53: {  	[sflag:s15] =	ssyncadd.s32 $0xFFFFFF80  }
0x54: {  	[spmem:s1] =	stream.indirect.scatter.add.f32 [tilespmem:s14], [sflag:$0x2], $0x80, s16, s16, $0xb8;
	[tilespmem:$0x18100] =	vst v63  }
0x55: {  	_ =	swait.ge [sflag:s15], $0x4000  }
0x56: {  	s22 =	smov.u32 s25;
	[sflag:s15] =	ssyncset.done $0x0  }
0x57: {  	s22 =	sadd.s32 s21, s13;
	[sflag:s15] =	ssyncadd.s32 $0xFFFFC000  }
0x58: {  	[tilespmem:s3], [sflag:$0x2] =	stream.linear.gather [hbm4b:s22+s3], $0x80, $0x38;
	[tilespmem:$0x18100] =	vst v63  }
0x59: {  	_ =	swait.ge [sflag:s15], $0x80  }
0x5a: {  	[sflag:s15] =	ssyncset.done $0x0  }
0x5b: {  	[sflag:s15] =	ssyncadd.s32 $0xFFFFFF80  }
0x5c: {  	[tilespmem:s14], [sflag:$0x1] =	stream.indirect.gather [hbm4b:s4+s16], $0x80, s3, s16, $0xb8;
	[tilespmem:$0x18100] =	vst v63  }
0x5d: {  	_ =	swait.ge [sflag:s17], $0x4000  }
0x5e: {  	[sflag:s17] =	ssyncset.done $0x0  }
0x5f: {  	s31 =	sadd.s32 s21, s12;
	[sflag:s17] =	ssyncadd.s32 $0xFFFFC000  }
0x60: {  	[tilespmem:s16], [sflag:$0x2] =	stream.linear.gather [hbm4b:s31+s3], $0x80, $0x38;
	[tilespmem:$0x18100] =	vst v63  }
0x61: {  	_ =	swait.ge [sflag:s15], $0x80  }
0x62: {  	[sflag:s15] =	ssyncset.done $0x0  }
0x63: {  	[sflag:s15] =	ssyncadd.s32 $0xFFFFFF80  }
0x64: {  	[spmem:s1] =	stream.indirect.scatter.add.f32 [tilespmem:s14], [sflag:$0x2], $0x80, s16, s16, $0xb8;
	[tilespmem:$0x18100] =	vst v63  }
0x65: {  	_ =	swait.ge [sflag:s15], $0x4000  }
0x66: {  	s20 =	sadd.s32 $0x1, s20;
	[sflag:s15] =	ssyncset.done $0x0  }
0x67: {  	p0 =	sne.s32 s20, s7;
	[sflag:s15] =	ssyncadd.s32 $0xFFFFC000  }
.Ltmp2:
0x68: {  	[bflag:$0x0] =	sbarrier.arrive $0xFFFF;
	(pc) =	sbr.rel @p0 .LBB2_1-.Ltmp2, $4  }
0x69: {  	[hbm:s6], [sflag:s18] =	dma.local [spmem:s19], $0x2800  }
0x6a: {  	_ =	swait.ge [sflag:s15], $0x2800  }
0x6b: {  	[sflag:s15] =	ssyncset.done $0x0  }
0x6c: {  	[sflag:s15] =	ssyncadd.s32 $0xFFFFD800  }
0x6d: {  	_ =	sfence.sel $0x180000  }
0x6e: {  	[bflag:$0x0] =	sbarrier.arrive $0xFFFF  }
0x6f: {  	p0 =	sne.s32 s2, $0x0;
	_ =	strace $0x9000004A  }
0x70: {  	s0 =	sadd.s32 @!p0 $0x100000, s0;
	[bflag:$0x2] =	sbarrier.arrive $0xFFFF  }
0x71: {  	[sflag:s0] =	ssyncadd.tile.s32 @!p0 $0x1;
	_ =	shalt  }
.Lfunc_end2:
_tile_overlayer_lowered:
.L_overlay_start_2:
0x72: {  	(tag) =	ssettag $0x2  }
0x73: {  	s0 =	rddreg [dreg:$0x0];
	s2 =	stileid.u32  }
0x74: {  	s1 =	rddreg [dreg:$0x1];
	p0 =	sne.s32 s2, $0x0  }
0x75: {  	s3 =	rddreg [dreg:$0x2];
	[bflag:$0x3] =	sbarrier.arrive $0xFFFF;
	s2 =	simm.s32 @!p0 $0x1C02  }
0x76: {  	[timem:s3], [sflag:s2] =	dma.local @!p0 [hbm:s0], s1  }
0x77: {  	s0 =	simm.s32 @!p0 $0x2  }
0x78: {  	_ =	swait.ge @!p0 [sflag:s0], s1  }
0x79: {  	s1 =	ssub.s32 @!p0 $0x0, s1;
	[sflag:s0] =	ssyncset.done @!p0 $0x0  }
0x7a: {  	[sflag:s0] =	ssyncadd.s32 @!p0 s1  }
0x7b: {  	[bflag:$0x3] =	sbarrier.arrive $0xFFFF  }
0x7c: {  	_ =	shalt  }

// kernel: kernel.14.cloned.1.call-start
scs
__scs_entry_jumppad:
0x0: {  	(pc) =	sbr.rel $0x88, $3  }
0x1: {  	(tag) =	ssettag $0x0;
	lr =	simm.s32 $0x1  }
0x2: {  	[smem:$0x3F9B] =	sst lr;
	_ =	strace $0xD0000000  }
0x3: {  	_ = 	snop  }
0x4: {  	_ = 	snop  }
0x5: {  	_ = 	snop  }
0x6: {  	_ = 	snop  }
0x7: {  	_ = 	snop  }
__scs_overlays_trampoline_lowered:
0x8: {  	[smem:$0x3FAA] =	sst s0  }
0x9: {  	[smem:$0x3FAB] =	sst s1  }
0xa: {  	[smem:$0x3FAC] =	sst s2  }
0xb: {  	[smem:$0x3FAD] =	sst s3  }
0xc: {  	[smem:$0x3FAE] =	sst s4  }
0xd: {  	[smem:$0x3FAF] =	sst s5  }
0xe: {  	[smem:$0x3FB0] =	sst s6  }
0xf: {  	[smem:$0x3FB1] =	sst s7  }
0x10: {  	[smem:$0x3FB2] =	sst s8  }
0x11: {  	[smem:$0x3FB3] =	sst s9;
	s0 =	simm.s32 @!p0 $0x0  }
0x12: {  	s1 =	sld [smem:$0x3F99];
	s0 =	simm.s32 @p0 $0x1  }
0x13: {  	[smem:$0x3FB4] =	sst s0;
	s0 =	simm.s32 @!p1 $0x0  }
0x14: {  	s2 =	sld [smem:$0x3F98];
	s0 =	simm.s32 @p1 $0x1  }
0x15: {  	[smem:$0x3FB5] =	sst s0;
	s0 =	simm.s32 @!p2 $0x0  }
0x16: {  	s3 =	sld [smem:$0x3FDB];
	s0 =	simm.s32 @p2 $0x1  }
0x17: {  	s4 =	simm.s32 $0x1BF5;
	[smem:$0x3FB7] =	sst s0  }
0x18: {  	s0 =	sld [smem:$0x3F9A];
	_ =	swait.ge [sflag:s4], $0x0  }
0x19: {  	s7 =	sld [smem:$0x3F9B]  }
0x1a: {  	s8 =	sadd.s32 $0xFFFFE003, lr  }
0x1b: {  	s9 =	sadd.s32 $0xFFFFFEF7, lr;
	s5 =	simm.s32 $0xFFFFFFFF;
	p2 =	slt.u32 s8, $0xFFFFF086  }
0x1c: {  	p1 =	slt.u32 s9, $0xF7A;
	s5 =	simm.s32 @!p2 $0x0  }
0x1d: {  	s5 =	simm.s32 @p1 $0x1;
	p0 =	seq.s32 s7, s2  }
0x1e: {  	s7 =	smul.u32 @!p0 $0xF7A, s2;
	p2 =	seq.s32 @!p0 s5, $0x0  }
0x1f: {  	s9 =	smul.u32 $0xF7A, s1;
	s8 =	simm.s32 @!p0 $0x1BF5;
	p2 =	por !p2, p0  }
0x20: {  	[sflag:s8] =	ssyncset.s32 @!p0 $0xFFFFF086;
	s6 =	sadd.s32 @!p0 s3, s7;
	s7 =	simm.s32 @!p0 $0x108  }
0x21: {  	s3 =	sadd.s32 s3, s9;
	s6 =	sadd.s32 @!p0 $0x88, s6;
	s7 =	simm.s32 @p2 $0x1082  }
0x22: {  	[simem:s7], [sflag:s8] =	dma.local @!p0 [hbm:s6], $0xF7A  }
0x23: {  	s9 =	sor.u32 $0xD0000000, s2;
	s6 =	simm.s32 $0x108;
	_ =	swait.ge @!p0 [sflag:s8], $0x0  }
0x24: {  	s3 =	sadd.s32 $0x88, s3;
	s6 =	simm.s32 @!p1 $0x1082;
	[sflag:s4] =	ssyncset.s32 $0xFFFFF086  }
0x25: {  	[simem:s6], [sflag:s4] =	dma.local [hbm:s3], $0xF7A  }
0x26: {  	[smem:$0x3F9B] =	sst s1;
	(tag) =	ssettag s2;
	_ =	strace s9  }
0x27: {  	s1 =	sld [smem:$0x3FAB]  }
0x28: {  	s2 =	sld [smem:$0x3FAC]  }
0x29: {  	s4 =	sld [smem:$0x3FAE]  }
0x2a: {  	p0 =	seq.s32 s5, $0x0;
	s5 =	sld [smem:$0x3FAF]  }
0x2b: {  	s6 =	sld [smem:$0x3FB0]  }
0x2c: {  	s7 =	sld [smem:$0x3FB1]  }
0x2d: {  	s3 =	simm.s32 $0x108;
	s8 =	sld [smem:$0x3FB2]  }
0x2e: {  	s3 =	simm.s32 @!p0 $0x1082;
	s9 =	sld [smem:$0x3FB3]  }
0x2f: {  	lr =	sadd.s32 s0, s3;
	s0 =	sld [smem:$0x3FAA]  }
0x30: {  	s3 =	sld [smem:$0x3FAD]  }
0x31: {  	[smem:$0x3FB6] =	sst s10  }
0x32: {  	s10 =	sld [smem:$0x3FB4];
	_ =	sdelay $0x3  }
0x33: {  	p0 =	seq.s32 s10, $0x1;
	s10 =	sld [smem:$0x3FB6];
	_ =	sdelay $0x3  }
0x34: {  	[smem:$0x3FB6] =	sst s10  }
0x35: {  	s10 =	sld [smem:$0x3FB5];
	_ =	sdelay $0x3  }
0x36: {  	p1 =	seq.s32 s10, $0x1;
	s10 =	sld [smem:$0x3FB6];
	_ =	sdelay $0x3  }
0x37: {  	[smem:$0x3FB6] =	sst s10  }
0x38: {  	s10 =	sld [smem:$0x3FB7]  }
0x39: {  	_ = 	snop;
	(pc) =	sbr.ind lr, $3  }
0x3a: {  	_ = 	snop  }
0x3b: {  	_ = 	snop  }
0x3c: {  	p2 =	seq.s32 s10, $0x1;
	s10 =	sld [smem:$0x3FB6]  }
0x3d: {  	_ =	shalt  }
0x3e: {  	_ =	shalt  }
0x3f: {  	_ =	shalt  }
0x40: {  	_ =	shalt  }
0x41: {  	_ =	shalt  }
0x42: {  	_ =	shalt  }
0x43: {  	_ =	shalt  }
0x44: {  	_ =	shalt  }
0x45: {  	_ =	shalt  }
0x46: {  	_ =	shalt  }
0x47: {  	_ =	shalt  }
0x48: {  	_ =	shalt  }
0x49: {  	_ =	shalt  }
0x4a: {  	_ =	shalt  }
0x4b: {  	_ =	shalt  }
0x4c: {  	_ =	shalt  }
0x4d: {  	_ =	shalt  }
0x4e: {  	_ =	shalt  }
0x4f: {  	_ =	shalt  }
0x50: {  	_ =	shalt  }
0x51: {  	_ =	shalt  }
0x52: {  	_ =	shalt  }
0x53: {  	_ =	shalt  }
0x54: {  	_ =	shalt  }
0x55: {  	_ =	shalt  }
0x56: {  	_ =	shalt  }
0x57: {  	_ =	shalt  }
0x58: {  	_ =	shalt  }
0x59: {  	_ =	shalt  }
0x5a: {  	_ =	shalt  }
0x5b: {  	_ =	shalt  }
0x5c: {  	_ =	shalt  }
0x5d: {  	_ =	shalt  }
0x5e: {  	_ =	shalt  }
0x5f: {  	_ =	shalt  }
0x60: {  	_ =	shalt  }
0x61: {  	_ =	shalt  }
0x62: {  	_ =	shalt  }
0x63: {  	_ =	shalt  }
0x64: {  	_ =	shalt  }
0x65: {  	_ =	shalt  }
0x66: {  	_ =	shalt  }
0x67: {  	_ =	shalt  }
0x68: {  	_ =	shalt  }
0x69: {  	_ =	shalt  }
0x6a: {  	_ =	shalt  }
0x6b: {  	_ =	shalt  }
0x6c: {  	_ =	shalt  }
0x6d: {  	_ =	shalt  }
0x6e: {  	_ =	shalt  }
0x6f: {  	_ =	shalt  }
0x70: {  	_ =	shalt  }
0x71: {  	_ =	shalt  }
0x72: {  	_ =	shalt  }
0x73: {  	_ =	shalt  }
0x74: {  	_ =	shalt  }
0x75: {  	_ =	shalt  }
0x76: {  	_ =	shalt  }
0x77: {  	_ =	shalt  }
0x78: {  	_ =	shalt  }
0x79: {  	_ =	shalt  }
0x7a: {  	_ =	shalt  }
0x7b: {  	_ =	shalt  }
0x7c: {  	_ =	shalt  }
0x7d: {  	_ =	shalt  }
0x7e: {  	_ =	shalt  }
0x7f: {  	_ =	shalt  }
0x80: {  	_ =	shalt  }
0x81: {  	_ =	shalt  }
0x82: {  	_ =	shalt  }
0x83: {  	_ =	shalt  }
0x84: {  	_ =	shalt  }
0x85: {  	_ =	shalt  }
0x86: {  	_ =	shalt  }
0x87: {  	_ =	shalt  }
.Lfunc_end0:
.L_simem_size_0:
called_computation.2_lowered:
.L_overlay_start_0:
0x88: {  	s2 =	sld [smem:$0x3FD9]  }
0x89: {  	s3 =	sld [smem:$0x3FFE];
	_ =	sdelay $0x1  }
0x8a: {  	s1 =	srdreg.scid  }
0x8b: {  	s0 =	sand.u32 $0x1, s1  }
0x8c: {  	s17 =	sshll.u32 s0, $0xA;
	s2 =	sadd.s32 s3, s2  }
0x8d: {  	s2 =	sadd.s32 s2, s17  }
0x8e: {  	[smem:$0x3FC2] =	sst s2  }
0x8f: {  	_ = 	snop  }
0x90: {  	s2 =	sld [smem:$0x3FD0];
	(tm) =	ssettm $0x1  }
0x91: {  	s18 =	sld [smem:$0x3FFB];
	_ =	sdelay $0x3  }
0x92: {  	_ =	strace s18  }
0x93: {  	s3 =	sld [smem:$0x3FFC];
	_ =	sdelay $0x3  }
0x94: {  	_ =	strace s3  }
0x95: {  	s3 =	sld [smem:$0x3FFD];
	_ =	sdelay $0x3  }
0x96: {  	_ =	strace s3  }
0x97: {  	_ =	strace $0x8FFFFFFF  }
0x98: {  	s19 =	sld [smem:$0x3FDB];
	_ =	sdelay $0x1  }
0x99: {  	s4 =	simm.s32 $_scs_section_size  }
0x9a: {  	s5 =	simm.s32 $_size__tile_overlayer_lowered;
	s6 =	simm.s32 $_tile_overlayer_lowered  }
0x9b: {  	s22 =	simm.s32 $0x1BFF;
	s21 =	sshll.u32 s6, $0x1;
	s3 =	sadd.s32 s4, s19  }
0x9c: {  	s7 =	simm.s32 $0x0;
	s20 =	sshll.u32 s5, $0x1;
	s5 =	sadd.s32 s21, s3  }
0x9d: {  	[timem:s7], [sflag:s22] =	dma.local [hbm:s5], s20  }
0x9e: {  	_ =	swait.ge [sflag:s22], s20  }
0x9f: {  	s4 =	ssub.s32 $0x0, s20;
	[sflag:s22] =	ssyncset.done $0x0  }
0xa0: {  	[sflag:s22] =	ssyncadd.s32 s4;
	_ =	sdelay $0x1  }
0xa1: {  	s23 =	simm.s32 $0x1B8B  }
0xa2: {  	_ =	swait.ge [sflag:s23], $0x1  }
0xa3: {  	[sflag:s23] =	ssyncset.done $0x0  }
0xa4: {  	s25 =	simm.s32 $0x1B8E;
	s24 =	sld [smem:$0x3FFE];
	[sflag:s23] =	ssyncadd.s32 $0xFFFFFFFF  }
0xa5: {  	s26 =	simm.s32 $execute0_lowered;
	[smem:$0x3FD2] =	sst s25  }
0xa6: {  	s5 =	sshll.u32 s26, $0x1;
	_ =	strace $0x8000004C;
	[dreg:$0x1] =	wrdreg $0xFFFFFFFF  }
0xa7: {  	s28 =	simm.s32 $_size_execute0_lowered;
	s3 =	sadd.s32 s3, s5;
	[dreg:$0x0] =	wrdreg $0x0  }
0xa8: {  	s5 =	sshll.u32 s28, $0x1;
	[dreg:$0x2] =	wrdreg s3  }
0xa9: {  	[dreg:$0x3] =	wrdreg s5  }
0xaa: {  	[dreg:$0x4] =	wrdreg $0xC0  }
0xab: {  	_ =	task [dreg:s7], $0x5FFFF  }
0xac: {  	[dreg:$0x1] =	wrdreg $0xFFFFFFFF  }
0xad: {  	[dreg:$0x0] =	wrdreg $0x60  }
0xae: {  	[dreg:$0x2] =	wrdreg s24  }
0xaf: {  	[dreg:$0x3] =	wrdreg s2  }
0xb0: {  	[dreg:$0x4] =	wrdreg $0x41000  }
0xb1: {  	[dreg:$0x5] =	wrdreg $0x9  }
0xb2: {  	_ =	task.clear_ibuf [dreg:s7], $0x6FFFF;
	_ =	strace $0x9000004C  }
0xb3: {  	s29 =	simm.s32 $0x9;
	_ =	strace $0x8000004E  }
0xb4: {  	_ =	swait.ge [sflag:s29], $0x1  }
0xb5: {  	[sflag:s29] =	ssyncadd.s32 $0xFFFFFFFF  }
0xb6: {  	_ =	strace $0x9000004E  }
0xb7: {  	_ =	sfence  }
0xb8: {  	s30 =	sld [smem:$0x0];
	_ =	sdelay $0x2  }
0xb9: {  	s31 =	sshll.u32 s1, $0xD;
	s1 =	sshrl.u32 s1, $0x2  }
0xba: {  	s3 =	sand.u32 $0x4000, s31;
	s1 =	sadd.s32 s1, s30  }
0xbb: {  	s0 =	sor.u32 s3, s0;
	s1 =	sshll.u32 s1, $0x11  }
0xbc: {  	s0 =	sor.u32 s1, s0  }
0xbd: {  	s0 =	sadd.s32 $0x8F2B, s0  }
0xbe: {  	[sflag:s0] =	ssyncadd.remote.s32 $0x1  }
0xbf: {  	_ =	sfence.sel $0xFFFF  }
0xc0: {  	[dreg:$0x0] =	wrdreg $0xFFFFFFFF;
	(pc) =	sbr.abs _section_cstart, $3  }
0xc1: {  	[dreg:$0x1] =	wrdreg $0xFFFFFFFF  }
0xc2: {  	_ =	task.clear_ibuf [dreg:s7], $0x2FFFF;
	_ =	strace $0x9FFFFFFF  }
0xc3: {  	(tm) =	ssettm $0x7FFFFFFF  }
tec
execute0_lowered:
.L_overlay_start_1:
0x0: {  	(tag) =	ssettag $0x1  }
0x1: {  	s5 =	rddreg [dreg:$0x0]  }
0x2: {  	s11 =	rddreg [dreg:$0x1]  }
0x3: {  	s1 =	rddreg [dreg:$0x2];
	s2 =	srdreg.scid  }
0x4: {  	s0 =	rddreg [dreg:$0x3];
	s3 =	simm.s32 $0x0;
	s6 =	sand.u32 $0x1, s2  }
0x5: {  	s15 =	simm.s32 $0x2;
	s2 =	stileid.u32;
	s7 =	smul.u32 $0x140000, s6  }
0x6: {  	s16 =	simm.s32 $0x80;
	s17 =	simm.s32 $0x1;
	s8 =	smul.u32 $0x14000, s2  }
0x7: {  	s20 =	simm.s32 $0x0;
	[smem:$0x7FF] =	sst s3;
	s12 =	smul.u32 $0x4F00, s6  }
0x8: {  	s4 =	sadd.s32 $0x5C000, s5;
	_ =	strace $0x8000004D;
	s30 =	smul.u32 $0x50000, s2  }
0x9: {  	s6 =	ssub.s32 $0x2, s6;
	s14 =	smul.u32 $0x4F0, s2;
	s18 =	sshll.u32 s2, $0x6  }
0xa: {  	s31 =	sshrl.u32 s6, $0x1;
	s18 =	sor.u32 $0x1C02, s18;
	s7 =	sadd.s32 s8, s7  }
0xb: {  	s13 =	sadd.s32 s12, s5;
	s8 =	sshrl.u32 s30, $0x2;
	s12 =	sadd.s32 s12, s11  }
0xc: {  	s9 =	ssub.s32 s6, s31;
	s7 =	sshrl.u32 s7, $0x3;
	s12 =	sadd.s32 s14, s12  }
0xd: {  	s13 =	sadd.s32 s14, s13;
	s14 =	simm.s32 $0x100;
	s7 =	sadd.s32 s7, s5  }
0xe: {  	s5 =	sadd.s32 s8, s1;
	s13 =	sadd.s32 $0x52200, s13;
	s6 =	sadd.s32 $0x84000, s7  }
0xf: {  	s7 =	smax.u32 s9, $0x1;
	s8 =	sadd.s32 $0x4000, s5;
	s9 =	sadd.s32 $0x8000, s5  }
0x10: {  	v0 =	vimm.f32 $0.0e+00;
	s10 =	sadd.s32 $0xC000, s5;
	s11 =	sadd.s32 $0x10000, s5;
	s19 =	sshrl.u32 s5, $0x3  }
.LBB2_1:
0x11: {  	s21 =	simm.s32 $0x0;
	s22 =	simm.s32 $0x200  }
.LBB2_2:
0x12: {  	p0 =	sne.s32 s22, $0xFE00;
	[tilespmem:s21+$0x170] =	vst v0  }
0x13: {  	[tilespmem:s21+$0x100] =	vst v0  }
0x14: {  	[tilespmem:s21+$0x110] =	vst v0  }
.Ltmp0:
0x15: {  	[tilespmem:s21+$0x120] =	vst v0;
	(pc) =	sbr.rel @p0 .LBB2_2-.Ltmp0, $4  }
0x16: {  	[tilespmem:s21+$0x130] =	vst v0  }
0x17: {  	[tilespmem:s21+$0x140] =	vst v0  }
0x18: {  	[tilespmem:s21+$0x150] =	vst v0  }
0x19: {  	[tilespmem:s21+$0x160] =	vst v0;
	s21 =	sshra.s32 s22, $0x2;
	s22 =	sadd.s32 $0x200, s22  }
0x1a: {  	[tilespmem:s21+$0x170] =	vst v0  }
0x1b: {  	[tilespmem:s21+$0x100] =	vst v0  }
0x1c: {  	[tilespmem:s21+$0x110] =	vst v0  }
0x1d: {  	[tilespmem:s21+$0x120] =	vst v0  }
0x1e: {  	[tilespmem:s21+$0x130] =	vst v0  }
0x1f: {  	[tilespmem:s21+$0x140] =	vst v0  }
0x20: {  	[tilespmem:s21+$0x150] =	vst v0  }
0x21: {  	[tilespmem:s21+$0x160] =	vst v0  }
0x22: {  	[spmem:s5] =	stream.linear.scatter [tilespmem:s14], [sflag:$0x2], $0x4000, $0x38;
	[tilespmem:$0x18100] =	vst v63  }
0x23: {  	_ =	swait.ge [sflag:s15], $0x4000  }
0x24: {  	[sflag:s15] =	ssyncset.done $0x0  }
0x25: {  	[sflag:s15] =	ssyncadd.s32 $0xFFFFC000  }
0x26: {  	[spmem:s8] =	stream.linear.scatter [tilespmem:s14], [sflag:$0x2], $0x4000, $0x38;
	[tilespmem:$0x18100] =	vst v63  }
0x27: {  	_ =	swait.ge [sflag:s15], $0x4000  }
0x28: {  	[sflag:s15] =	ssyncset.done $0x0  }
0x29: {  	[sflag:s15] =	ssyncadd.s32 $0xFFFFC000  }
0x2a: {  	[spmem:s9] =	stream.linear.scatter [tilespmem:s14], [sflag:$0x2], $0x4000, $0x38;
	[tilespmem:$0x18100] =	vst v63  }
0x2b: {  	_ =	swait.ge [sflag:s15], $0x4000  }
0x2c: {  	[sflag:s15] =	ssyncset.done $0x0  }
0x2d: {  	[sflag:s15] =	ssyncadd.s32 $0xFFFFC000  }
0x2e: {  	[spmem:s10] =	stream.linear.scatter [tilespmem:s14], [sflag:$0x2], $0x4000, $0x38;
	[tilespmem:$0x18100] =	vst v63  }
0x2f: {  	_ =	swait.ge [sflag:s15], $0x4000  }
0x30: {  	[sflag:s15] =	ssyncset.done $0x0  }
0x31: {  	[sflag:s15] =	ssyncadd.s32 $0xFFFFC000  }
0x32: {  	[spmem:s11] =	stream.linear.scatter [tilespmem:s14], [sflag:$0x2], $0x4000, $0x38;
	[tilespmem:$0x18100] =	vst v63  }
0x33: {  	_ =	swait.ge [sflag:s15], $0x4000  }
0x34: {  	[sflag:s15] =	ssyncset.done $0x0  }
0x35: {  	[sflag:s15] =	ssyncadd.s32 $0xFFFFC000  }
0x36: {  	s30 =	sadd.s32 $0x0, s13;
	[bflag:$0x0] =	sbarrier.arrive $0xFFFF  }
0x37: {  	[tilespmem:s3], [sflag:$0x2] =	stream.linear.gather [hbm4b:s30+s3], $0x80, $0x38;
	[tilespmem:$0x18100] =	vst v63  }
0x38: {  	_ =	swait.ge [sflag:s15], $0x80  }
0x39: {  	[sflag:s15] =	ssyncset.done $0x0  }
0x3a: {  	[sflag:s15] =	ssyncadd.s32 $0xFFFFFF80  }
0x3b: {  	[tilespmem:s14], [sflag:$0x1] =	stream.indirect.gather [hbm4b:s4+s16], $0x80, s3, s16, $0xb8;
	[tilespmem:$0x18100] =	vst v63  }
0x3c: {  	_ =	swait.ge [sflag:s17], $0x4000  }
0x3d: {  	[sflag:s17] =	ssyncset.done $0x0  }
0x3e: {  	s31 =	sadd.s32 $0x0, s12;
	[sflag:s17] =	ssyncadd.s32 $0xFFFFC000  }
0x3f: {  	[tilespmem:s16], [sflag:$0x2] =	stream.linear.gather [hbm4b:s31+s3], $0x80, $0x38;
	[tilespmem:$0x18100] =	vst v63  }
0x40: {  	_ =	swait.ge [sflag:s15], $0x80  }
0x41: {  	[sflag:s15] =	ssyncset.done $0x0  }
0x42: {  	[sflag:s15] =	ssyncadd.s32 $0xFFFFFF80  }
0x43: {  	[spmem:s1] =	stream.indirect.scatter.add.f32 [tilespmem:s14], [sflag:$0x2], $0x80, s16, s16, $0xb8;
	[tilespmem:$0x18100] =	vst v63  }
0x44: {  	_ =	swait.ge [sflag:s15], $0x4000  }
0x45: {  	s21 =	simm.s32 $0x10;
	s22 =	simm.s32 $0x20;
	[sflag:s15] =	ssyncset.done $0x0  }
.LBB2_4:
0x46: {  	s23 =	sadd.s32 s21, s13  }
0x47: {  	[sflag:s15] =	ssyncadd.s32 $0xFFFFC000;
	s24 =	smov.u32 s22;
	s25 =	sadd.s32 $0x10, s22  }
0x48: {  	[tilespmem:s3], [sflag:$0x2] =	stream.linear.gather [hbm4b:s23+s3], $0x80, $0x38;
	[tilespmem:$0x18100] =	vst v63  }
0x49: {  	p0 =	sne.s32 s22, $0x4E0;
	_ =	swait.ge [sflag:s15], $0x80  }
0x4a: {  	[sflag:s15] =	ssyncset.done $0x0  }
0x4b: {  	[sflag:s15] =	ssyncadd.s32 $0xFFFFFF80  }
0x4c: {  	[tilespmem:s14], [sflag:$0x1] =	stream.indirect.gather [hbm4b:s4+s16], $0x80, s3, s16, $0xb8;
	[tilespmem:$0x18100] =	vst v63  }
0x4d: {  	_ =	swait.ge [sflag:s17], $0x4000  }
0x4e: {  	[sflag:s17] =	ssyncset.done $0x0  }
0x4f: {  	s22 =	sadd.s32 s21, s12;
	s21 =	smov.u32 s24;
	[sflag:s17] =	ssyncadd.s32 $0xFFFFC000  }
0x50: {  	[tilespmem:s16], [sflag:$0x2] =	stream.linear.gather [hbm4b:s22+s3], $0x80, $0x38;
	[tilespmem:$0x18100] =	vst v63  }
0x51: {  	_ =	swait.ge [sflag:s15], $0x80  }
.Ltmp1:
0x52: {  	[sflag:s15] =	ssyncset.done $0x0;
	(pc) =	sbr.rel @p0 .LBB2_4-.Ltmp1, $4  }
0x53: {  	[sflag:s15] =	ssyncadd.s32 $0xFFFFFF80  }
0x54: {  	[spmem:s1] =	stream.indirect.scatter.add.f32 [tilespmem:s14], [sflag:$0x2], $0x80, s16, s16, $0xb8;
	[tilespmem:$0x18100] =	vst v63  }
0x55: {  	_ =	swait.ge [sflag:s15], $0x4000  }
0x56: {  	s22 =	smov.u32 s25;
	[sflag:s15] =	ssyncset.done $0x0  }
0x57: {  	s22 =	sadd.s32 s21, s13;
	[sflag:s15] =	ssyncadd.s32 $0xFFFFC000  }
0x58: {  	[tilespmem:s3], [sflag:$0x2] =	stream.linear.gather [hbm4b:s22+s3], $0x80, $0x38;
	[tilespmem:$0x18100] =	vst v63  }
0x59: {  	_ =	swait.ge [sflag:s15], $0x80  }
0x5a: {  	[sflag:s15] =	ssyncset.done $0x0  }
0x5b: {  	[sflag:s15] =	ssyncadd.s32 $0xFFFFFF80  }
0x5c: {  	[tilespmem:s14], [sflag:$0x1] =	stream.indirect.gather [hbm4b:s4+s16], $0x80, s3, s16, $0xb8;
	[tilespmem:$0x18100] =	vst v63  }
0x5d: {  	_ =	swait.ge [sflag:s17], $0x4000  }
0x5e: {  	[sflag:s17] =	ssyncset.done $0x0  }
0x5f: {  	s31 =	sadd.s32 s21, s12;
	[sflag:s17] =	ssyncadd.s32 $0xFFFFC000  }
0x60: {  	[tilespmem:s16], [sflag:$0x2] =	stream.linear.gather [hbm4b:s31+s3], $0x80, $0x38;
	[tilespmem:$0x18100] =	vst v63  }
0x61: {  	_ =	swait.ge [sflag:s15], $0x80  }
0x62: {  	[sflag:s15] =	ssyncset.done $0x0  }
0x63: {  	[sflag:s15] =	ssyncadd.s32 $0xFFFFFF80  }
0x64: {  	[spmem:s1] =	stream.indirect.scatter.add.f32 [tilespmem:s14], [sflag:$0x2], $0x80, s16, s16, $0xb8;
	[tilespmem:$0x18100] =	vst v63  }
0x65: {  	_ =	swait.ge [sflag:s15], $0x4000  }
0x66: {  	s20 =	sadd.s32 $0x1, s20;
	[sflag:s15] =	ssyncset.done $0x0  }
0x67: {  	p0 =	sne.s32 s20, s7;
	[sflag:s15] =	ssyncadd.s32 $0xFFFFC000  }
.Ltmp2:
0x68: {  	[bflag:$0x0] =	sbarrier.arrive $0xFFFF;
	(pc) =	sbr.rel @p0 .LBB2_1-.Ltmp2, $4  }
0x69: {  	[hbm:s6], [sflag:s18] =	dma.local [spmem:s19], $0x2800  }
0x6a: {  	_ =	swait.ge [sflag:s15], $0x2800  }
0x6b: {  	[sflag:s15] =	ssyncset.done $0x0  }
0x6c: {  	[sflag:s15] =	ssyncadd.s32 $0xFFFFD800  }
0x6d: {  	_ =	sfence.sel $0x180000  }
0x6e: {  	[bflag:$0x0] =	sbarrier.arrive $0xFFFF  }
0x6f: {  	p0 =	sne.s32 s2, $0x0;
	_ =	strace $0x9000004D  }
0x70: {  	s0 =	sadd.s32 @!p0 $0x100000, s0;
	[bflag:$0x2] =	sbarrier.arrive $0xFFFF  }
0x71: {  	[sflag:s0] =	ssyncadd.tile.s32 @!p0 $0x1;
	_ =	shalt  }
.Lfunc_end2:
_tile_overlayer_lowered:
.L_overlay_start_2:
0x72: {  	(tag) =	ssettag $0x2  }
0x73: {  	s0 =	rddreg [dreg:$0x0];
	s2 =	stileid.u32  }
0x74: {  	s1 =	rddreg [dreg:$0x1];
	p0 =	sne.s32 s2, $0x0  }
0x75: {  	s3 =	rddreg [dreg:$0x2];
	[bflag:$0x3] =	sbarrier.arrive $0xFFFF;
	s2 =	simm.s32 @!p0 $0x1C02  }
0x76: {  	[timem:s3], [sflag:s2] =	dma.local @!p0 [hbm:s0], s1  }
0x77: {  	s0 =	simm.s32 @!p0 $0x2  }
0x78: {  	_ =	swait.ge @!p0 [sflag:s0], s1  }
0x79: {  	s1 =	ssub.s32 @!p0 $0x0, s1;
	[sflag:s0] =	ssyncset.done @!p0 $0x0  }
0x7a: {  	[sflag:s0] =	ssyncadd.s32 @!p0 s1  }
0x7b: {  	[bflag:$0x3] =	sbarrier.arrive $0xFFFF  }
0x7c: {  	_ =	shalt  }

// kernel: kernel.8.cloned.1.call-start
scs
__scs_entry_jumppad:
0x0: {  	(pc) =	sbr.rel $0x88, $3  }
0x1: {  	(tag) =	ssettag $0x0;
	lr =	simm.s32 $0x1  }
0x2: {  	[smem:$0x3F9B] =	sst lr;
	_ =	strace $0xD0000000  }
0x3: {  	_ = 	snop  }
0x4: {  	_ = 	snop  }
0x5: {  	_ = 	snop  }
0x6: {  	_ = 	snop  }
0x7: {  	_ = 	snop  }
__scs_overlays_trampoline_lowered:
0x8: {  	[smem:$0x3FAA] =	sst s0  }
0x9: {  	[smem:$0x3FAB] =	sst s1  }
0xa: {  	[smem:$0x3FAC] =	sst s2  }
0xb: {  	[smem:$0x3FAD] =	sst s3  }
0xc: {  	[smem:$0x3FAE] =	sst s4  }
0xd: {  	[smem:$0x3FAF] =	sst s5  }
0xe: {  	[smem:$0x3FB0] =	sst s6  }
0xf: {  	[smem:$0x3FB1] =	sst s7  }
0x10: {  	[smem:$0x3FB2] =	sst s8  }
0x11: {  	[smem:$0x3FB3] =	sst s9;
	s0 =	simm.s32 @!p0 $0x0  }
0x12: {  	s1 =	sld [smem:$0x3F99];
	s0 =	simm.s32 @p0 $0x1  }
0x13: {  	[smem:$0x3FB4] =	sst s0;
	s0 =	simm.s32 @!p1 $0x0  }
0x14: {  	s2 =	sld [smem:$0x3F98];
	s0 =	simm.s32 @p1 $0x1  }
0x15: {  	[smem:$0x3FB5] =	sst s0;
	s0 =	simm.s32 @!p2 $0x0  }
0x16: {  	s3 =	sld [smem:$0x3FDB];
	s0 =	simm.s32 @p2 $0x1  }
0x17: {  	s4 =	simm.s32 $0x1BF5;
	[smem:$0x3FB7] =	sst s0  }
0x18: {  	s0 =	sld [smem:$0x3F9A];
	_ =	swait.ge [sflag:s4], $0x0  }
0x19: {  	s7 =	sld [smem:$0x3F9B]  }
0x1a: {  	s8 =	sadd.s32 $0xFFFFE003, lr  }
0x1b: {  	s9 =	sadd.s32 $0xFFFFFEF7, lr;
	s5 =	simm.s32 $0xFFFFFFFF;
	p2 =	slt.u32 s8, $0xFFFFF086  }
0x1c: {  	p1 =	slt.u32 s9, $0xF7A;
	s5 =	simm.s32 @!p2 $0x0  }
0x1d: {  	s5 =	simm.s32 @p1 $0x1;
	p0 =	seq.s32 s7, s2  }
0x1e: {  	s7 =	smul.u32 @!p0 $0xF7A, s2;
	p2 =	seq.s32 @!p0 s5, $0x0  }
0x1f: {  	s9 =	smul.u32 $0xF7A, s1;
	s8 =	simm.s32 @!p0 $0x1BF5;
	p2 =	por !p2, p0  }
0x20: {  	[sflag:s8] =	ssyncset.s32 @!p0 $0xFFFFF086;
	s6 =	sadd.s32 @!p0 s3, s7;
	s7 =	simm.s32 @!p0 $0x108  }
0x21: {  	s3 =	sadd.s32 s3, s9;
	s6 =	sadd.s32 @!p0 $0x88, s6;
	s7 =	simm.s32 @p2 $0x1082  }
0x22: {  	[simem:s7], [sflag:s8] =	dma.local @!p0 [hbm:s6], $0xF7A  }
0x23: {  	s9 =	sor.u32 $0xD0000000, s2;
	s6 =	simm.s32 $0x108;
	_ =	swait.ge @!p0 [sflag:s8], $0x0  }
0x24: {  	s3 =	sadd.s32 $0x88, s3;
	s6 =	simm.s32 @!p1 $0x1082;
	[sflag:s4] =	ssyncset.s32 $0xFFFFF086  }
0x25: {  	[simem:s6], [sflag:s4] =	dma.local [hbm:s3], $0xF7A  }
0x26: {  	[smem:$0x3F9B] =	sst s1;
	(tag) =	ssettag s2;
	_ =	strace s9  }
0x27: {  	s1 =	sld [smem:$0x3FAB]  }
0x28: {  	s2 =	sld [smem:$0x3FAC]  }
0x29: {  	s4 =	sld [smem:$0x3FAE]  }
0x2a: {  	p0 =	seq.s32 s5, $0x0;
	s5 =	sld [smem:$0x3FAF]  }
0x2b: {  	s6 =	sld [smem:$0x3FB0]  }
0x2c: {  	s7 =	sld [smem:$0x3FB1]  }
0x2d: {  	s3 =	simm.s32 $0x108;
	s8 =	sld [smem:$0x3FB2]  }
0x2e: {  	s3 =	simm.s32 @!p0 $0x1082;
	s9 =	sld [smem:$0x3FB3]  }
0x2f: {  	lr =	sadd.s32 s0, s3;
	s0 =	sld [smem:$0x3FAA]  }
0x30: {  	s3 =	sld [smem:$0x3FAD]  }
0x31: {  	[smem:$0x3FB6] =	sst s10  }
0x32: {  	s10 =	sld [smem:$0x3FB4];
	_ =	sdelay $0x3  }
0x33: {  	p0 =	seq.s32 s10, $0x1;
	s10 =	sld [smem:$0x3FB6];
	_ =	sdelay $0x3  }
0x34: {  	[smem:$0x3FB6] =	sst s10  }
0x35: {  	s10 =	sld [smem:$0x3FB5];
	_ =	sdelay $0x3  }
0x36: {  	p1 =	seq.s32 s10, $0x1;
	s10 =	sld [smem:$0x3FB6];
	_ =	sdelay $0x3  }
0x37: {  	[smem:$0x3FB6] =	sst s10  }
0x38: {  	s10 =	sld [smem:$0x3FB7]  }
0x39: {  	_ = 	snop;
	(pc) =	sbr.ind lr, $3  }
0x3a: {  	_ = 	snop  }
0x3b: {  	_ = 	snop  }
0x3c: {  	p2 =	seq.s32 s10, $0x1;
	s10 =	sld [smem:$0x3FB6]  }
0x3d: {  	_ =	shalt  }
0x3e: {  	_ =	shalt  }
0x3f: {  	_ =	shalt  }
0x40: {  	_ =	shalt  }
0x41: {  	_ =	shalt  }
0x42: {  	_ =	shalt  }
0x43: {  	_ =	shalt  }
0x44: {  	_ =	shalt  }
0x45: {  	_ =	shalt  }
0x46: {  	_ =	shalt  }
0x47: {  	_ =	shalt  }
0x48: {  	_ =	shalt  }
0x49: {  	_ =	shalt  }
0x4a: {  	_ =	shalt  }
0x4b: {  	_ =	shalt  }
0x4c: {  	_ =	shalt  }
0x4d: {  	_ =	shalt  }
0x4e: {  	_ =	shalt  }
0x4f: {  	_ =	shalt  }
0x50: {  	_ =	shalt  }
0x51: {  	_ =	shalt  }
0x52: {  	_ =	shalt  }
0x53: {  	_ =	shalt  }
0x54: {  	_ =	shalt  }
0x55: {  	_ =	shalt  }
0x56: {  	_ =	shalt  }
0x57: {  	_ =	shalt  }
0x58: {  	_ =	shalt  }
0x59: {  	_ =	shalt  }
0x5a: {  	_ =	shalt  }
0x5b: {  	_ =	shalt  }
0x5c: {  	_ =	shalt  }
0x5d: {  	_ =	shalt  }
0x5e: {  	_ =	shalt  }
0x5f: {  	_ =	shalt  }
0x60: {  	_ =	shalt  }
0x61: {  	_ =	shalt  }
0x62: {  	_ =	shalt  }
0x63: {  	_ =	shalt  }
0x64: {  	_ =	shalt  }
0x65: {  	_ =	shalt  }
0x66: {  	_ =	shalt  }
0x67: {  	_ =	shalt  }
0x68: {  	_ =	shalt  }
0x69: {  	_ =	shalt  }
0x6a: {  	_ =	shalt  }
0x6b: {  	_ =	shalt  }
0x6c: {  	_ =	shalt  }
0x6d: {  	_ =	shalt  }
0x6e: {  	_ =	shalt  }
0x6f: {  	_ =	shalt  }
0x70: {  	_ =	shalt  }
0x71: {  	_ =	shalt  }
0x72: {  	_ =	shalt  }
0x73: {  	_ =	shalt  }
0x74: {  	_ =	shalt  }
0x75: {  	_ =	shalt  }
0x76: {  	_ =	shalt  }
0x77: {  	_ =	shalt  }
0x78: {  	_ =	shalt  }
0x79: {  	_ =	shalt  }
0x7a: {  	_ =	shalt  }
0x7b: {  	_ =	shalt  }
0x7c: {  	_ =	shalt  }
0x7d: {  	_ =	shalt  }
0x7e: {  	_ =	shalt  }
0x7f: {  	_ =	shalt  }
0x80: {  	_ =	shalt  }
0x81: {  	_ =	shalt  }
0x82: {  	_ =	shalt  }
0x83: {  	_ =	shalt  }
0x84: {  	_ =	shalt  }
0x85: {  	_ =	shalt  }
0x86: {  	_ =	shalt  }
0x87: {  	_ =	shalt  }
.Lfunc_end0:
.L_simem_size_0:
called_computation_lowered:
.L_overlay_start_0:
0x88: {  	s2 =	sld [smem:$0x3FD9]  }
0x89: {  	s3 =	sld [smem:$0x3FFE];
	_ =	sdelay $0x1  }
0x8a: {  	s1 =	srdreg.scid  }
0x8b: {  	s0 =	sand.u32 $0x1, s1  }
0x8c: {  	s17 =	sshll.u32 s0, $0xA;
	s2 =	sadd.s32 s3, s2  }
0x8d: {  	s2 =	sadd.s32 s2, s17  }
0x8e: {  	[smem:$0x3FC2] =	sst s2  }
0x8f: {  	_ = 	snop  }
0x90: {  	s2 =	sld [smem:$0x3FD0];
	(tm) =	ssettm $0x1  }
0x91: {  	s18 =	sld [smem:$0x3FFB];
	_ =	sdelay $0x3  }
0x92: {  	_ =	strace s18  }
0x93: {  	s3 =	sld [smem:$0x3FFC];
	_ =	sdelay $0x3  }
0x94: {  	_ =	strace s3  }
0x95: {  	s3 =	sld [smem:$0x3FFD];
	_ =	sdelay $0x3  }
0x96: {  	_ =	strace s3  }
0x97: {  	_ =	strace $0x8FFFFFFF  }
0x98: {  	s19 =	sld [smem:$0x3FDB];
	_ =	sdelay $0x1  }
0x99: {  	s4 =	simm.s32 $_scs_section_size  }
0x9a: {  	s5 =	simm.s32 $_size__tile_overlayer_lowered;
	s6 =	simm.s32 $_tile_overlayer_lowered  }
0x9b: {  	s22 =	simm.s32 $0x1BFF;
	s21 =	sshll.u32 s6, $0x1;
	s3 =	sadd.s32 s4, s19  }
0x9c: {  	s7 =	simm.s32 $0x0;
	s20 =	sshll.u32 s5, $0x1;
	s5 =	sadd.s32 s21, s3  }
0x9d: {  	[timem:s7], [sflag:s22] =	dma.local [hbm:s5], s20  }
0x9e: {  	_ =	swait.ge [sflag:s22], s20  }
0x9f: {  	s4 =	ssub.s32 $0x0, s20;
	[sflag:s22] =	ssyncset.done $0x0  }
0xa0: {  	[sflag:s22] =	ssyncadd.s32 s4;
	_ =	sdelay $0x1  }
0xa1: {  	s23 =	simm.s32 $0x1B8B  }
0xa2: {  	_ =	swait.ge [sflag:s23], $0x1  }
0xa3: {  	[sflag:s23] =	ssyncset.done $0x0  }
0xa4: {  	s25 =	simm.s32 $0x1B8E;
	s24 =	sld [smem:$0x3FFE];
	[sflag:s23] =	ssyncadd.s32 $0xFFFFFFFF  }
0xa5: {  	s26 =	simm.s32 $execute0_lowered;
	[smem:$0x3FD2] =	sst s25  }
0xa6: {  	s5 =	sshll.u32 s26, $0x1;
	_ =	strace $0x80000046;
	[dreg:$0x1] =	wrdreg $0xFFFFFFFF  }
0xa7: {  	s28 =	simm.s32 $_size_execute0_lowered;
	s3 =	sadd.s32 s3, s5;
	[dreg:$0x0] =	wrdreg $0x0  }
0xa8: {  	s5 =	sshll.u32 s28, $0x1;
	[dreg:$0x2] =	wrdreg s3  }
0xa9: {  	[dreg:$0x3] =	wrdreg s5  }
0xaa: {  	[dreg:$0x4] =	wrdreg $0xC0  }
0xab: {  	_ =	task [dreg:s7], $0x5FFFF  }
0xac: {  	[dreg:$0x1] =	wrdreg $0xFFFFFFFF  }
0xad: {  	[dreg:$0x0] =	wrdreg $0x60  }
0xae: {  	[dreg:$0x2] =	wrdreg s2  }
0xaf: {  	[dreg:$0x3] =	wrdreg s24  }
0xb0: {  	[dreg:$0x4] =	wrdreg $0x80800  }
0xb1: {  	[dreg:$0x5] =	wrdreg $0x9  }
0xb2: {  	_ =	task.clear_ibuf [dreg:s7], $0x6FFFF;
	_ =	strace $0x90000046  }
0xb3: {  	s29 =	simm.s32 $0x9;
	_ =	strace $0x80000048  }
0xb4: {  	_ =	swait.ge [sflag:s29], $0x1  }
0xb5: {  	[sflag:s29] =	ssyncadd.s32 $0xFFFFFFFF  }
0xb6: {  	_ =	strace $0x90000048  }
0xb7: {  	_ =	sfence  }
0xb8: {  	s30 =	sld [smem:$0x0];
	_ =	sdelay $0x2  }
0xb9: {  	s31 =	sshll.u32 s1, $0xD;
	s1 =	sshrl.u32 s1, $0x2  }
0xba: {  	s3 =	sand.u32 $0x4000, s31;
	s1 =	sadd.s32 s1, s30  }
0xbb: {  	s0 =	sor.u32 s3, s0;
	s1 =	sshll.u32 s1, $0x11  }
0xbc: {  	s0 =	sor.u32 s1, s0  }
0xbd: {  	s0 =	sadd.s32 $0x8F2B, s0  }
0xbe: {  	[sflag:s0] =	ssyncadd.remote.s32 $0x1  }
0xbf: {  	_ =	sfence.sel $0xFFFF  }
0xc0: {  	[dreg:$0x0] =	wrdreg $0xFFFFFFFF;
	(pc) =	sbr.abs _section_cstart, $3  }
0xc1: {  	[dreg:$0x1] =	wrdreg $0xFFFFFFFF  }
0xc2: {  	_ =	task.clear_ibuf [dreg:s7], $0x2FFFF;
	_ =	strace $0x9FFFFFFF  }
0xc3: {  	(tm) =	ssettm $0x7FFFFFFF  }
tec
execute0_lowered:
.L_overlay_start_1:
0x0: {  	(tag) =	ssettag $0x1  }
0x1: {  	s10 =	rddreg [dreg:$0x0]  }
0x2: {  	s4 =	rddreg [dreg:$0x1];
	s0 =	srdreg.scid  }
0x3: {  	s2 =	rddreg [dreg:$0x2];
	s1 =	stileid.u32  }
0x4: {  	s3 =	simm.s32 $0x0;
	s13 =	simm.s32 $0x1;
	s7 =	smul.u32 $0x14000, s1  }
0x5: {  	s14 =	simm.s32 $0x80;
	s17 =	simm.s32 $0x0;
	s8 =	smul.u32 $0x50000, s1  }
0x6: {  	s6 =	sand.u32 $0x1, s0;
	s0 =	rddreg [dreg:$0x3];
	s12 =	smul.u32 $0x4F0, s1  }
0x7: {  	[smem:$0x7FF] =	sst s3;
	s15 =	sshll.u32 s1, $0x6;
	s5 =	smul.u32 $0x140000, s6  }
0x8: {  	s30 =	ssub.s32 $0x2, s6;
	_ =	strace $0x80000047;
	s11 =	smul.u32 $0x4F00, s6  }
0x9: {  	s15 =	sor.u32 $0x1C01, s15;
	s9 =	sshrl.u32 s30, $0x1;
	s31 =	sshrl.u32 s8, $0x2  }
0xa: {  	s5 =	sadd.s32 s7, s5;
	s7 =	ssub.s32 s30, s9;
	s11 =	sadd.s32 s11, s10  }
0xb: {  	s5 =	sshrl.u32 s5, $0x3;
	s6 =	smax.u32 s7, $0x1;
	s11 =	sadd.s32 s12, s11  }
0xc: {  	s12 =	simm.s32 $0x4080;
	s5 =	sadd.s32 s5, s4;
	s4 =	sadd.s32 s31, s2  }
0xd: {  	s5 =	sadd.s32 $0x2200, s5;
	s7 =	sadd.s32 $0x4000, s4;
	s8 =	sadd.s32 $0x8000, s4  }
0xe: {  	v0 =	vimm.f32 $1.000000000e+00;
	v1 =	vimm.f32 $0.0e+00;
	s9 =	sadd.s32 $0xC000, s4;
	s10 =	sadd.s32 $0x10000, s4;
	s16 =	sshrl.u32 s4, $0x3  }
.LBB2_1:
0xf: {  	s18 =	simm.s32 $0x0;
	s19 =	simm.s32 $0x200  }
.LBB2_2:
0x10: {  	p0 =	sne.s32 s19, $0xFE00;
	[tilespmem:s18+$0x40F0] =	vst v1  }
0x11: {  	[tilespmem:s18+$0x80] =	vst v0  }
0x12: {  	[tilespmem:s18+$0x4080] =	vst v1  }
0x13: {  	[tilespmem:s18+$0x90] =	vst v0  }
0x14: {  	[tilespmem:s18+$0x4090] =	vst v1  }
0x15: {  	[tilespmem:s18+$0xA0] =	vst v0  }
0x16: {  	[tilespmem:s18+$0x40A0] =	vst v1  }
0x17: {  	[tilespmem:s18+$0xB0] =	vst v0  }
0x18: {  	[tilespmem:s18+$0x40B0] =	vst v1  }
0x19: {  	[tilespmem:s18+$0xC0] =	vst v0  }
0x1a: {  	[tilespmem:s18+$0x40C0] =	vst v1  }
.Ltmp0:
0x1b: {  	[tilespmem:s18+$0xD0] =	vst v0;
	(pc) =	sbr.rel @p0 .LBB2_2-.Ltmp0, $4  }
0x1c: {  	[tilespmem:s18+$0x40D0] =	vst v1  }
0x1d: {  	[tilespmem:s18+$0xE0] =	vst v0  }
0x1e: {  	[tilespmem:s18+$0x40E0] =	vst v1  }
0x1f: {  	[tilespmem:s18+$0xF0] =	vst v0;
	s18 =	sshra.s32 s19, $0x2;
	s19 =	sadd.s32 $0x200, s19  }
0x20: {  	[tilespmem:s18+$0x40F0] =	vst v1  }
0x21: {  	[tilespmem:s18+$0x80] =	vst v0  }
0x22: {  	[tilespmem:s18+$0x4080] =	vst v1  }
0x23: {  	[tilespmem:s18+$0x90] =	vst v0  }
0x24: {  	[tilespmem:s18+$0x4090] =	vst v1  }
0x25: {  	[tilespmem:s18+$0xA0] =	vst v0  }
0x26: {  	[tilespmem:s18+$0x40A0] =	vst v1  }
0x27: {  	[tilespmem:s18+$0xB0] =	vst v0  }
0x28: {  	[tilespmem:s18+$0x40B0] =	vst v1  }
0x29: {  	[tilespmem:s18+$0xC0] =	vst v0  }
0x2a: {  	[tilespmem:s18+$0x40C0] =	vst v1  }
0x2b: {  	[tilespmem:s18+$0xD0] =	vst v0  }
0x2c: {  	[tilespmem:s18+$0x40D0] =	vst v1  }
0x2d: {  	[tilespmem:s18+$0xE0] =	vst v0  }
0x2e: {  	[tilespmem:s18+$0x40E0] =	vst v1  }
0x2f: {  	[tilespmem:s18+$0xF0] =	vst v0  }
0x30: {  	[spmem:s4] =	stream.linear.scatter [tilespmem:s12], [sflag:$0x1], $0x4000, $0x38;
	[tilespmem:$0x1C080] =	vst v63  }
0x31: {  	_ =	swait.ge [sflag:s13], $0x4000  }
0x32: {  	[sflag:s13] =	ssyncset.done $0x0  }
0x33: {  	[sflag:s13] =	ssyncadd.s32 $0xFFFFC000  }
0x34: {  	[spmem:s7] =	stream.linear.scatter [tilespmem:s12], [sflag:$0x1], $0x4000, $0x38;
	[tilespmem:$0x1C080] =	vst v63  }
0x35: {  	_ =	swait.ge [sflag:s13], $0x4000  }
0x36: {  	[sflag:s13] =	ssyncset.done $0x0  }
0x37: {  	[sflag:s13] =	ssyncadd.s32 $0xFFFFC000  }
0x38: {  	[spmem:s8] =	stream.linear.scatter [tilespmem:s12], [sflag:$0x1], $0x4000, $0x38;
	[tilespmem:$0x1C080] =	vst v63  }
0x39: {  	_ =	swait.ge [sflag:s13], $0x4000  }
0x3a: {  	[sflag:s13] =	ssyncset.done $0x0  }
0x3b: {  	[sflag:s13] =	ssyncadd.s32 $0xFFFFC000  }
0x3c: {  	[spmem:s9] =	stream.linear.scatter [tilespmem:s12], [sflag:$0x1], $0x4000, $0x38;
	[tilespmem:$0x1C080] =	vst v63  }
0x3d: {  	_ =	swait.ge [sflag:s13], $0x4000  }
0x3e: {  	[sflag:s13] =	ssyncset.done $0x0  }
0x3f: {  	[sflag:s13] =	ssyncadd.s32 $0xFFFFC000  }
0x40: {  	[spmem:s10] =	stream.linear.scatter [tilespmem:s12], [sflag:$0x1], $0x4000, $0x38;
	[tilespmem:$0x1C080] =	vst v63  }
0x41: {  	_ =	swait.ge [sflag:s13], $0x4000  }
0x42: {  	[sflag:s13] =	ssyncset.done $0x0  }
0x43: {  	[sflag:s13] =	ssyncadd.s32 $0xFFFFC000  }
0x44: {  	s31 =	sadd.s32 $0x0, s11;
	[bflag:$0x0] =	sbarrier.arrive $0xFFFF  }
0x45: {  	[tilespmem:s3], [sflag:$0x1] =	stream.linear.gather [hbm4b:s31+s3], $0x80, $0x38;
	[tilespmem:$0x1C080] =	vst v63  }
0x46: {  	_ =	swait.ge [sflag:s13], $0x80  }
0x47: {  	[sflag:s13] =	ssyncset.done $0x0  }
0x48: {  	[sflag:s13] =	ssyncadd.s32 $0xFFFFFF80  }
0x49: {  	[spmem:s2] =	stream.indirect.scatter.add.f32 [tilespmem:s14], [sflag:$0x1], $0x80, s3, s14, $0xb8;
	[tilespmem:$0x1C080] =	vst v63  }
0x4a: {  	_ =	swait.ge [sflag:s13], $0x4000  }
0x4b: {  	s18 =	simm.s32 $0x10;
	s19 =	simm.s32 $0x20;
	[sflag:s13] =	ssyncset.done $0x0  }
.LBB2_4:
0x4c: {  	s20 =	sadd.s32 s18, s11  }
0x4d: {  	[sflag:s13] =	ssyncadd.s32 $0xFFFFC000;
	s18 =	smov.u32 s19;
	s21 =	sadd.s32 $0x10, s19  }
0x4e: {  	[tilespmem:s3], [sflag:$0x1] =	stream.linear.gather [hbm4b:s20+s3], $0x80, $0x38;
	[tilespmem:$0x1C080] =	vst v63  }
0x4f: {  	p0 =	sne.s32 s19, $0x4E0;
	_ =	swait.ge [sflag:s13], $0x80  }
.Ltmp1:
0x50: {  	[sflag:s13] =	ssyncset.done $0x0;
	(pc) =	sbr.rel @p0 .LBB2_4-.Ltmp1, $4  }
0x51: {  	[sflag:s13] =	ssyncadd.s32 $0xFFFFFF80  }
0x52: {  	[spmem:s2] =	stream.indirect.scatter.add.f32 [tilespmem:s14], [sflag:$0x1], $0x80, s3, s14, $0xb8;
	[tilespmem:$0x1C080] =	vst v63  }
0x53: {  	_ =	swait.ge [sflag:s13], $0x4000  }
0x54: {  	s19 =	smov.u32 s21;
	[sflag:s13] =	ssyncset.done $0x0  }
0x55: {  	s18 =	sadd.s32 s18, s11;
	[sflag:s13] =	ssyncadd.s32 $0xFFFFC000  }
0x56: {  	[tilespmem:s3], [sflag:$0x1] =	stream.linear.gather [hbm4b:s18+s3], $0x80, $0x38;
	[tilespmem:$0x1C080] =	vst v63  }
0x57: {  	_ =	swait.ge [sflag:s13], $0x80  }
0x58: {  	[sflag:s13] =	ssyncset.done $0x0  }
0x59: {  	[sflag:s13] =	ssyncadd.s32 $0xFFFFFF80  }
0x5a: {  	[spmem:s2] =	stream.indirect.scatter.add.f32 [tilespmem:s14], [sflag:$0x1], $0x80, s3, s14, $0xb8;
	[tilespmem:$0x1C080] =	vst v63  }
0x5b: {  	_ =	swait.ge [sflag:s13], $0x4000  }
0x5c: {  	s17 =	sadd.s32 $0x1, s17;
	[sflag:s13] =	ssyncset.done $0x0  }
0x5d: {  	p0 =	sne.s32 s17, s6;
	[sflag:s13] =	ssyncadd.s32 $0xFFFFC000  }
.Ltmp2:
0x5e: {  	[bflag:$0x0] =	sbarrier.arrive $0xFFFF;
	(pc) =	sbr.rel @p0 .LBB2_1-.Ltmp2, $4  }
0x5f: {  	[hbm:s5], [sflag:s15] =	dma.local [spmem:s16], $0x2800  }
0x60: {  	_ =	swait.ge [sflag:s13], $0x2800  }
0x61: {  	[sflag:s13] =	ssyncset.done $0x0  }
0x62: {  	[sflag:s13] =	ssyncadd.s32 $0xFFFFD800  }
0x63: {  	_ =	sfence.sel $0x180000  }
0x64: {  	[bflag:$0x0] =	sbarrier.arrive $0xFFFF  }
0x65: {  	p0 =	sne.s32 s1, $0x0;
	_ =	strace $0x90000047  }
0x66: {  	s0 =	sadd.s32 @!p0 $0x100000, s0;
	[bflag:$0x2] =	sbarrier.arrive $0xFFFF  }
0x67: {  	[sflag:s0] =	ssyncadd.tile.s32 @!p0 $0x1;
	_ =	shalt  }
.Lfunc_end2:
_tile_overlayer_lowered:
.L_overlay_start_2:
0x68: {  	(tag) =	ssettag $0x2  }
0x69: {  	s0 =	rddreg [dreg:$0x0];
	s2 =	stileid.u32  }
0x6a: {  	s1 =	rddreg [dreg:$0x1];
	p0 =	sne.s32 s2, $0x0  }
0x6b: {  	s3 =	rddreg [dreg:$0x2];
	[bflag:$0x3] =	sbarrier.arrive $0xFFFF;
	s2 =	simm.s32 @!p0 $0x1C01  }
0x6c: {  	[timem:s3], [sflag:s2] =	dma.local @!p0 [hbm:s0], s1  }
0x6d: {  	s0 =	simm.s32 @!p0 $0x1  }
0x6e: {  	_ =	swait.ge @!p0 [sflag:s0], s1  }
0x6f: {  	s1 =	ssub.s32 @!p0 $0x0, s1;
	[sflag:s0] =	ssyncset.done @!p0 $0x0  }
0x70: {  	[sflag:s0] =	ssyncadd.s32 @!p0 s1  }
0x71: {  	[bflag:$0x3] =	sbarrier.arrive $0xFFFF  }
0x72: {  	_ =	shalt  }

</sc_bundles>
